<compile_context>
chip_gen: v7x
topology: tpu7x:2x2x1
jax: 0.10.2.dev20260603
libtpu: 0.0.44.dev20260713+nightly
codegen_flags: <defaults>
</compile_context>

<pallas_src>
import dataclasses
import functools

import jax
import jax.numpy as jnp
from jax import lax
from jax.experimental import pallas as pl
from jax.experimental.pallas import tpu as pltpu
from jax.experimental.pallas import tpu_sc as plsc

N = 10000
E = 320000
D = 128
H = 128
DE = 16
DG = 16

NC = 2
NS = 16
NW = NC * NS
EPW = E // NW
W = 80
NCHUNK = EPW // W
NPAD = 10240
RPT = NPAD // NS

BN = 1000
BE = 512

_f32 = jnp.float32


def _silu(x):
    return x * jax.nn.sigmoid(x)


def _sc_compiler_params():
    cp = pltpu.CompilerParams()
    fields = pltpu.CompilerParams.__dataclass_fields__
    if "needs_layout_passes" in fields:
        cp = dataclasses.replace(cp, needs_layout_passes=False)
    if "use_tc_tiling_on_sc" in fields:
        cp = dataclasses.replace(cp, use_tc_tiling_on_sc=False)
    return cp


def _tca_body(nodes_ref, we1a_ref, we1b_ref, glb_ref, we1g_ref, be1_ref,
              a_ref, b_ref):
    c0 = jnp.dot(glb_ref[...], we1g_ref[...],
                 preferred_element_type=_f32) + be1_ref[...]
    x = nodes_ref[...]
    a_ref[...] = jnp.dot(x, we1a_ref[...], preferred_element_type=_f32) + c0
    b_ref[...] = jnp.dot(x, we1b_ref[...], preferred_element_type=_f32)


def _tca(nodes, we1a, we1b, glb, we1g, be1):
    full = lambda s: pl.BlockSpec(s, lambda i: (0, 0))
    return pl.pallas_call(
        _tca_body,
        grid=(N // BN,),
        in_specs=[
            pl.BlockSpec((BN, D), lambda i: (i, 0)),
            full((D, H)), full((D, H)), full((1, DG)), full((DG, H)),
            full((1, H)),
        ],
        out_specs=[
            pl.BlockSpec((BN, H), lambda i: (i, 0)),
            pl.BlockSpec((BN, H), lambda i: (i, 0)),
        ],
        out_shape=[
            jax.ShapeDtypeStruct((N, H), _f32),
            jax.ShapeDtypeStruct((N, H), _f32),
        ],
    )(nodes, we1a, we1b, glb, we1g, be1)


def _sc_gather_body(a_hbm, b_hbm, snd_hbm, rcv_hbm, px_hbm, py_hbm, pz_hbm,
                    pre_hbm, cd_hbm,
                    buf_a, buf_b, sidx, ridx, cd_buf, posx, posy, posz):
    cid = lax.axis_index("c")
    sid = lax.axis_index("s")
    base = (sid * NC + cid) * EPW

    @pl.loop(0, W)
    def _(e):
        cd_buf[e, pl.ds(0, 16)] = jnp.zeros((16,), _f32)

    pltpu.sync_copy(px_hbm, posx)
    pltpu.sync_copy(py_hbm, posy)
    pltpu.sync_copy(pz_hbm, posz)

    @pl.loop(0, NCHUNK)
    def _(i):
        off = base + i * W
        pltpu.sync_copy(snd_hbm.at[pl.ds(off, W)], sidx)
        pltpu.sync_copy(rcv_hbm.at[pl.ds(off, W)], ridx)
        pltpu.sync_copy(a_hbm.at[sidx], buf_a)
        pltpu.sync_copy(b_hbm.at[ridx], buf_b)

        @pl.loop(0, W)
        def _(e):
            for j in range(H // 16):
                sl = pl.ds(j * 16, 16)
                plsc.addupdate(buf_a.at[e, sl], buf_b[e, sl])

        @pl.loop(0, W // 16)
        def _(g):
            sl = pl.ds(g * 16, 16)
            sv = sidx[sl]
            rv = ridx[sl]
            eidx = g * 16 + lax.iota(jnp.int32, 16)
            dx = plsc.load_gather(posx, [sv]) - plsc.load_gather(posx, [rv])
            dy = plsc.load_gather(posy, [sv]) - plsc.load_gather(posy, [rv])
            dz = plsc.load_gather(posz, [sv]) - plsc.load_gather(posz, [rv])
            rad = dx * dx + dy * dy + dz * dz
            plsc.store_scatter(cd_buf, [eidx, jnp.full((16,), 0, jnp.int32)],
                               dx)
            plsc.store_scatter(cd_buf, [eidx, jnp.full((16,), 1, jnp.int32)],
                               dy)
            plsc.store_scatter(cd_buf, [eidx, jnp.full((16,), 2, jnp.int32)],
                               dz)
            plsc.store_scatter(cd_buf, [eidx, jnp.full((16,), 3, jnp.int32)],
                               rad)

        pltpu.sync_copy(buf_a, pre_hbm.at[pl.ds(off, W)])
        pltpu.sync_copy(cd_buf, cd_hbm.at[pl.ds(off, W)])


def _sc_gather(a, b, senders, receivers, px, py, pz):
    mesh = plsc.VectorSubcoreMesh(core_axis_name="c", subcore_axis_name="s")
    kern = pl.kernel(
        _sc_gather_body,
        out_type=[
            jax.ShapeDtypeStruct((E, H), _f32),
            jax.ShapeDtypeStruct((E, 16), _f32),
        ],
        mesh=mesh,
        scratch_types=[
            pltpu.VMEM((W, H), _f32),
            pltpu.VMEM((W, H), _f32),
            pltpu.VMEM((W,), jnp.int32),
            pltpu.VMEM((W,), jnp.int32),
            pltpu.VMEM((W, 16), _f32),
            pltpu.VMEM((N,), _f32),
            pltpu.VMEM((N,), _f32),
            pltpu.VMEM((N,), _f32),
        ],
        compiler_params=_sc_compiler_params(),
    )
    return kern(a, b, senders, receivers, px, py, pz)


def _tc2_body(pre_ref, cd_ref, ea_ref, wr_ref, we1e_ref, we2_ref, be2_ref,
              wp1_ref, bp1_ref, wpl_ref, msg_ref, trans_ref):
    rad = cd_ref[...][:, 3:4]
    pre1 = (pre_ref[...] + rad * wr_ref[...]
            + jnp.dot(ea_ref[...], we1e_ref[...], preferred_element_type=_f32))
    h = _silu(pre1)
    m = _silu(jnp.dot(h, we2_ref[...], preferred_element_type=_f32)
              + be2_ref[...])
    msg_ref[...] = m
    t = _silu(jnp.dot(m, wp1_ref[...], preferred_element_type=_f32)
              + bp1_ref[...])
    trans_ref[...] = jnp.dot(t, wpl_ref[...], preferred_element_type=_f32)


def _tc2(pre, cd16, edge_attr, wr, we1e, we2, be2, wp1, bp1, wpl):
    full = lambda s: pl.BlockSpec(s, lambda i: (0, 0))
    return pl.pallas_call(
        _tc2_body,
        grid=(E // BE,),
        in_specs=[
            pl.BlockSpec((BE, H), lambda i: (i, 0)),
            pl.BlockSpec((BE, 16), lambda i: (i, 0)),
            pl.BlockSpec((BE, DE), lambda i: (i, 0)),
            full((1, H)), full((DE, H)), full((H, H)), full((1, H)),
            full((H, H)), full((1, H)), full((H, 1)),
        ],
        out_specs=[
            pl.BlockSpec((BE, H), lambda i: (i, 0)),
            pl.BlockSpec((BE, 1), lambda i: (i, 0)),
        ],
        out_shape=[
            jax.ShapeDtypeStruct((E, H), _f32),
            jax.ShapeDtypeStruct((E, 1), _f32),
        ],
    )(pre, cd16, edge_attr, wr, we1e, we2, be2, wp1, bp1, wpl)


def _sc_scatter_body(msg_hbm, trans_hbm, snd_hbm, rcv_hbm, cd_hbm,
                     aggp_hbm, posp_hbm,
                     msg_buf, cd_buf, trans_buf, sidx, ridx,
                     acc_msg, acc_pos):
    cid = lax.axis_index("c")
    sid = lax.axis_index("s")
    base = (sid * NC + cid) * EPW
    zrow = sid * RPT

    @pl.loop(0, W)
    def _(e):
        for j in range(H // 16):
            msg_buf[e, pl.ds(j * 16, 16)] = jnp.zeros((16,), _f32)
        cd_buf[e, pl.ds(0, 16)] = jnp.zeros((16,), _f32)

    for k in range(RPT // W):
        pltpu.sync_copy(msg_buf, acc_msg.at[pl.ds(zrow + k * W, W)])
        pltpu.sync_copy(cd_buf, acc_pos.at[pl.ds(zrow + k * W, W)])

    plsc.subcore_barrier()

    @pl.loop(0, NCHUNK)
    def _(i):
        off = base + i * W
        pltpu.sync_copy(msg_hbm.at[pl.ds(off, W)], msg_buf)
        pltpu.sync_copy(trans_hbm.at[pl.ds(off, W)], trans_buf)
        pltpu.sync_copy(snd_hbm.at[pl.ds(off, W)], sidx)
        pltpu.sync_copy(rcv_hbm.at[pl.ds(off, W)], ridx)
        pltpu.sync_copy(cd_hbm.at[pl.ds(off, W)], cd_buf)

        @pl.loop(0, W // 16)
        def _(g):
            sl = pl.ds(g * 16, 16)
            tv = trans_buf[sl]
            eidx = g * 16 + lax.iota(jnp.int32, 16)
            for k in range(3):
                kvec = jnp.full((16,), k, jnp.int32)
                d = plsc.load_gather(cd_buf, [eidx, kvec])
                v = jnp.clip(d * tv, -100.0, 100.0)
                plsc.store_scatter(cd_buf, [eidx, kvec], v)

        pltpu.sync_copy(msg_buf, acc_msg.at[ridx], add=True)
        pltpu.sync_copy(cd_buf, acc_pos.at[sidx], add=True)

    plsc.subcore_barrier()

    pltpu.sync_copy(acc_msg.at[pl.ds(zrow, RPT)],
                    aggp_hbm.at[cid, pl.ds(zrow, RPT)])
    pltpu.sync_copy(acc_pos.at[pl.ds(zrow, RPT)],
                    posp_hbm.at[cid, pl.ds(zrow, RPT)])


def _sc_scatter(msg, trans1d, senders, receivers, cd16):
    mesh = plsc.VectorSubcoreMesh(core_axis_name="c", subcore_axis_name="s")
    kern = pl.kernel(
        _sc_scatter_body,
        out_type=[
            jax.ShapeDtypeStruct((NC, NPAD, H), _f32),
            jax.ShapeDtypeStruct((NC, NPAD, 16), _f32),
        ],
        mesh=mesh,
        scratch_types=[
            pltpu.VMEM((W, H), _f32),
            pltpu.VMEM((W, 16), _f32),
            pltpu.VMEM((W,), _f32),
            pltpu.VMEM((W,), jnp.int32),
            pltpu.VMEM((W,), jnp.int32),
            pltpu.VMEM_SHARED((NPAD, H), _f32),
            pltpu.VMEM_SHARED((NPAD, 16), _f32),
        ],
        compiler_params=_sc_compiler_params(),
    )
    return kern(msg, trans1d, senders, receivers, cd16)


def _tc4_body(nodes_ref, agg0_ref, agg1_ref, pos16_ref, pp0_ref, pp1_ref,
              wn1a_ref, wn1b_ref, bn1_ref, wn2_ref, bn2_ref,
              out_nodes_ref, out_pos_ref):
    x = nodes_ref[...]
    agg = agg0_ref[...] + agg1_ref[...]
    h = _silu(jnp.dot(x, wn1a_ref[...], preferred_element_type=_f32)
              + jnp.dot(agg, wn1b_ref[...], preferred_element_type=_f32)
              + bn1_ref[...])
    out_nodes_ref[...] = x + jnp.dot(h, wn2_ref[...],
                                     preferred_element_type=_f32) + bn2_ref[...]
    out_pos_ref[...] = pos16_ref[...] + pp0_ref[...] + pp1_ref[...]


def _tc4(nodes, agg0, agg1, pos16, pp0, pp1, wn1a, wn1b, bn1, wn2, bn2):
    full = lambda s: pl.BlockSpec(s, lambda i: (0, 0))
    return pl.pallas_call(
        _tc4_body,
        grid=(N // BN,),
        in_specs=[
            pl.BlockSpec((BN, D), lambda i: (i, 0)),
            pl.BlockSpec((BN, H), lambda i: (i, 0)),
            pl.BlockSpec((BN, H), lambda i: (i, 0)),
            pl.BlockSpec((BN, 16), lambda i: (i, 0)),
            pl.BlockSpec((BN, 16), lambda i: (i, 0)),
            pl.BlockSpec((BN, 16), lambda i: (i, 0)),
            full((D, H)), full((H, H)), full((1, H)), full((H, H)),
            full((1, H)),
        ],
        out_specs=[
            pl.BlockSpec((BN, H), lambda i: (i, 0)),
            pl.BlockSpec((BN, 16), lambda i: (i, 0)),
        ],
        out_shape=[
            jax.ShapeDtypeStruct((N, H), _f32),
            jax.ShapeDtypeStruct((N, 16), _f32),
        ],
    )(nodes, agg0, agg1, pos16, pp0, pp1, wn1a, wn1b, bn1, wn2, bn2)


def kernel(nodes, pos, senders, receivers, edge_attr, glb,
           We1, be1, We2, be2, Wn1, bn1, Wn2, bn2, Wp1, bp1, Wpl):
    we1a = We1[:D]
    we1b = We1[D:2 * D]
    wr = We1[2 * D:2 * D + 1]
    we1g = We1[2 * D + 1:2 * D + 1 + DG]
    we1e = We1[2 * D + 1 + DG:]

    be1r = be1.reshape(1, H)
    be2r = be2.reshape(1, H)
    bn1r = bn1.reshape(1, H)
    bn2r = bn2.reshape(1, H)
    bp1r = bp1.reshape(1, H)

    px = pos[:, 0]
    py = pos[:, 1]
    pz = pos[:, 2]
    pos16 = jnp.pad(pos, ((0, 0), (0, 13)))

    a, b = _tca(nodes, we1a, we1b, glb, we1g, be1r)
    pre, cd16 = _sc_gather(a, b, senders, receivers, px, py, pz)
    msg, trans = _tc2(pre, cd16, edge_attr,
                      wr, we1e, We2, be2r, Wp1, bp1r, Wpl)
    aggp, posp = _sc_scatter(msg, trans.reshape(E), senders, receivers, cd16)
    new_nodes, new_pos16 = _tc4(nodes, aggp[0], aggp[1], pos16,
                                posp[0], posp[1],
                                Wn1[:D], Wn1[D:], bn1r, Wn2, bn2r)
    return (new_nodes, msg, new_pos16[:, :3])

# --- scband reference (transcript-rebuilt; emitter-appended) ---
"""Pipeline reference for scband-egnnlayer-60344290509239 (READ-ONLY COPY).

The authoritative reference and input builder live on the scoring server;
editing this copy changes nothing except your own understanding.
"""

import jax, jax.numpy as jnp
import numpy as np

N = 10000
E = 320000
D = 128
H = 128
OUT = 128
DE = 16
DG = 16
MSG_IN = D + D + 1 + DG + DE  # incoming, outgoing, radial, globals, edge_attr = 289


def setup_inputs(seed: int = 0) -> dict:
    key = jax.random.key(seed)
    ks = jax.random.split(key, 20)
    nodes = jax.random.normal(ks[0], (N, D), dtype=jnp.float32)
    pos = jax.random.normal(ks[1], (N, 3), dtype=jnp.float32)
    senders = jax.random.randint(ks[2], (E,), 0, N, dtype=jnp.int32)
    receivers = jax.random.randint(ks[3], (E,), 0, N, dtype=jnp.int32)
    edge_attr = jax.random.normal(ks[4], (E, DE), dtype=jnp.float32)
    glb = jax.random.normal(ks[5], (1, DG), dtype=jnp.float32)
    s = 0.05
    # edge_mlp: MLP([H]*blocks + [H]) with activate_final=True -> Dense(289->128), silu, Dense(128->128), silu
    We1 = jax.random.normal(ks[6], (MSG_IN, H), dtype=jnp.float32) * s
    be1 = jnp.zeros((H,), dtype=jnp.float32)
    We2 = jax.random.normal(ks[7], (H, H), dtype=jnp.float32) * s
    be2 = jnp.zeros((H,), dtype=jnp.float32)
    # node_mlp: MLP([H]*blocks + [OUT]) activate_final=False -> Dense(256->128), silu, Dense(128->128)
    Wn1 = jax.random.normal(ks[8], (D + H, H), dtype=jnp.float32) * s
    bn1 = jnp.zeros((H,), dtype=jnp.float32)
    Wn2 = jax.random.normal(ks[9], (H, OUT), dtype=jnp.float32) * s
    bn2 = jnp.zeros((OUT,), dtype=jnp.float32)
    # pos_mlp: MLP([H]*blocks) activate_final=True -> Dense(128->128), silu
    Wp1 = jax.random.normal(ks[10], (H, H), dtype=jnp.float32) * s
    bp1 = jnp.zeros((H,), dtype=jnp.float32)
    # pos_mlp_last_layer: Dense(128->1, no bias), small variance-scaled init
    Wpl = jax.random.normal(ks[11], (H, 1), dtype=jnp.float32) * 0.001
    return {"nodes": nodes, "pos": pos, "senders": senders, "receivers": receivers,
            "edge_attr": edge_attr, "glb": glb,
            "We1": We1, "be1": be1, "We2": We2, "be2": be2,
            "Wn1": Wn1, "bn1": bn1, "Wn2": Wn2, "bn2": bn2,
            "Wp1": Wp1, "bp1": bp1, "Wpl": Wpl}


def reference(nodes, pos, senders, receivers, edge_attr, glb,
              We1, be1, We2, be2, Wn1, bn1, Wn2, bn2, Wp1, bp1, Wpl):
    # coord2radial (box_size=None, normalize=False)
    coord_diff = pos[senders] - pos[receivers]
    radial = jnp.sum(coord_diff ** 2, axis=1)[:, jnp.newaxis]
    # message: update_edge_fn(edges, sent_attr, recv_attr, globals)
    # incoming = nodes[senders], outgoing = nodes[receivers]; original graph.edges unused
    ge = jnp.broadcast_to(glb, (senders.shape[0], glb.shape[-1]))
    msg = jnp.concatenate([nodes[senders], nodes[receivers], radial, ge, edge_attr], axis=-1)
    msg = jax.nn.silu(msg @ We1 + be1)
    msg = jax.nn.silu(msg @ We2 + be2)  # activate_final=True; attention=False
    # node update: msg aggregated over receivers (received edges, segment_sum)
    agg = jax.ops.segment_sum(msg, receivers, num_segments=nodes.shape[0])
    x = jnp.concatenate([nodes, agg], axis=-1)
    x = jax.nn.silu(x @ Wn1 + bn1)
    x = x @ Wn2 + bn2
    new_nodes = nodes + x  # residual=True
    # pos_update uses updated graph.edges = msg
    t = jax.nn.silu(msg @ Wp1 + bp1)
    trans = t @ Wpl  # [E, 1]; tanh=False
    trans = coord_diff * trans
    trans = jnp.clip(trans, -100, 100)
    new_pos = pos + jax.ops.segment_sum(trans, senders, num_segments=pos.shape[0])
    return (new_nodes, msg, new_pos)

if __name__ == "__main__":
    import jax
    _d = setup_inputs()
    print(jax.jit(kernel)(*tuple(_d.values())))

</pallas_src>

<mosaic_0001>
#map = affine_map<(d0, d1) -> (0, 0)>
#map1 = affine_map<(d0, d1) -> (0)>
#map2 = affine_map<(d0, d1) -> (0, 0, 0)>
module attributes {stable_mosaic.version = 14 : i64} {
  func.func @_sc_scatter_body(%arg0: i32, %arg1: i32, %arg2: memref<320000x128xf32, #tpu.memory_space<hbm>>, %arg3: memref<320000xf32, #tpu.memory_space<hbm>>, %arg4: memref<320000xi32, #tpu.memory_space<hbm>>, %arg5: memref<320000xi32, #tpu.memory_space<hbm>>, %arg6: memref<320000x16xf32, #tpu.memory_space<hbm>>, %arg7: memref<2x10240x128xf32, #tpu.memory_space<hbm>>, %arg8: memref<2x10240x16xf32, #tpu.memory_space<hbm>>, %arg9: memref<80x128xf32, #tpu.memory_space<vmem>>, %arg10: memref<80x16xf32, #tpu.memory_space<vmem>>, %arg11: memref<80xf32, #tpu.memory_space<vmem>>, %arg12: memref<80xi32, #tpu.memory_space<vmem>>, %arg13: memref<80xi32, #tpu.memory_space<vmem>>, %arg14: memref<10240x128xf32, #tpu.memory_space<vmem_shared>>, %arg15: memref<10240x16xf32, #tpu.memory_space<vmem_shared>>) attributes {dimension_semantics = [#tpu.dimension_semantics<core_parallel>, #tpu.dimension_semantics<subcore_parallel>], iteration_bounds = array<i64: 2, 16>, scalar_prefetch = 0 : i64, scratch_operands = 7 : i64, tpu.core_type = #tpu.core_type<sc_vector_subcore>, window_params = [{transform_indices = #map}, {transform_indices = #map1}, {transform_indices = #map1}, {transform_indices = #map1}, {transform_indices = #map}, {transform_indices = #map2}, {transform_indices = #map2}]} {
    %mul3A = arith.constant 2 : i32
    %mul3A_0 = arith.muli %arg1, %mul3A : i32
    %add3A = arith.addi %mul3A_0, %arg0 : i32
    %mul3A_1 = arith.constant 10000 : i32
    %mul3A_2 = arith.muli %add3A, %mul3A_1 : i32
    %mul3A_3 = arith.constant 640 : i32
    %mul3A_4 = arith.muli %arg1, %mul3A_3 : i32
    %scan3A = arith.constant 0 : i32
    %scan3A_5 = arith.constant 80 : i32
    %scan3A_6 = arith.addi %scan3A, %scan3A_5 : i32
    %scan3A_7 = arith.constant 1 : i32
    scf.for %scan3A_47 = %scan3A to %scan3A_6 step %scan3A_7  : i32 {
      %mul3A_48 = arith.constant 1 : i32
      %mul3A_49 = arith.muli %scan3A_47, %mul3A_48 : i32
      %add3A_50 = arith.constant 0 : i32
      %add3A_51 = arith.addi %add3A_50, %mul3A_49 : i32
      %broadcast_in_dim3A = arith.constant 0.000000e+00 : f32
      %broadcast_in_dim3A_52 = vector.broadcast %broadcast_in_dim3A : f32 to vector<16xf32>
      %swap3A = arith.index_cast %add3A_51 : i32 to index
      %swap3A_53 = arith.constant 0 : index
      %swap3A_54 = tpu.vector_load %arg9[%swap3A, %swap3A_53] {strides = array<i32>} : memref<80x128xf32, #tpu.memory_space<vmem>>, vector<16xf32>,
      tpu.vector_store %arg9[%swap3A, %swap3A_53], %broadcast_in_dim3A_52 {strides = array<i32>} : memref<80x128xf32, #tpu.memory_space<vmem>>, vector<16xf32>,
      %broadcast_in_dim3A_55 = arith.constant 0.000000e+00 : f32
      %broadcast_in_dim3A_56 = vector.broadcast %broadcast_in_dim3A_55 : f32 to vector<16xf32>
      %swap3A_57 = arith.index_cast %add3A_51 : i32 to index
      %swap3A_58 = arith.constant 16 : index
      %swap3A_59 = tpu.vector_load %arg9[%swap3A_57, %swap3A_58] {strides = array<i32>} : memref<80x128xf32, #tpu.memory_space<vmem>>, vector<16xf32>,
      tpu.vector_store %arg9[%swap3A_57, %swap3A_58], %broadcast_in_dim3A_56 {strides = array<i32>} : memref<80x128xf32, #tpu.memory_space<vmem>>, vector<16xf32>,
      %broadcast_in_dim3A_60 = arith.constant 0.000000e+00 : f32
      %broadcast_in_dim3A_61 = vector.broadcast %broadcast_in_dim3A_60 : f32 to vector<16xf32>
      %swap3A_62 = arith.index_cast %add3A_51 : i32 to index
      %swap3A_63 = arith.constant 32 : index
      %swap3A_64 = tpu.vector_load %arg9[%swap3A_62, %swap3A_63] {strides = array<i32>} : memref<80x128xf32, #tpu.memory_space<vmem>>, vector<16xf32>,
      tpu.vector_store %arg9[%swap3A_62, %swap3A_63], %broadcast_in_dim3A_61 {strides = array<i32>} : memref<80x128xf32, #tpu.memory_space<vmem>>, vector<16xf32>,
      %broadcast_in_dim3A_65 = arith.constant 0.000000e+00 : f32
      %broadcast_in_dim3A_66 = vector.broadcast %broadcast_in_dim3A_65 : f32 to vector<16xf32>
      %swap3A_67 = arith.index_cast %add3A_51 : i32 to index
      %swap3A_68 = arith.constant 48 : index
      %swap3A_69 = tpu.vector_load %arg9[%swap3A_67, %swap3A_68] {strides = array<i32>} : memref<80x128xf32, #tpu.memory_space<vmem>>, vector<16xf32>,
      tpu.vector_store %arg9[%swap3A_67, %swap3A_68], %broadcast_in_dim3A_66 {strides = array<i32>} : memref<80x128xf32, #tpu.memory_space<vmem>>, vector<16xf32>,
      %broadcast_in_dim3A_70 = arith.constant 0.000000e+00 : f32
      %broadcast_in_dim3A_71 = vector.broadcast %broadcast_in_dim3A_70 : f32 to vector<16xf32>
      %swap3A_72 = arith.index_cast %add3A_51 : i32 to index
      %swap3A_73 = arith.constant 64 : index
      %swap3A_74 = tpu.vector_load %arg9[%swap3A_72, %swap3A_73] {strides = array<i32>} : memref<80x128xf32, #tpu.memory_space<vmem>>, vector<16xf32>,
      tpu.vector_store %arg9[%swap3A_72, %swap3A_73], %broadcast_in_dim3A_71 {strides = array<i32>} : memref<80x128xf32, #tpu.memory_space<vmem>>, vector<16xf32>,
      %broadcast_in_dim3A_75 = arith.constant 0.000000e+00 : f32
      %broadcast_in_dim3A_76 = vector.broadcast %broadcast_in_dim3A_75 : f32 to vector<16xf32>
      %swap3A_77 = arith.index_cast %add3A_51 : i32 to index
      %swap3A_78 = arith.constant 80 : index
      %swap3A_79 = tpu.vector_load %arg9[%swap3A_77, %swap3A_78] {strides = array<i32>} : memref<80x128xf32, #tpu.memory_space<vmem>>, vector<16xf32>,
      tpu.vector_store %arg9[%swap3A_77, %swap3A_78], %broadcast_in_dim3A_76 {strides = array<i32>} : memref<80x128xf32, #tpu.memory_space<vmem>>, vector<16xf32>,
      %broadcast_in_dim3A_80 = arith.constant 0.000000e+00 : f32
      %broadcast_in_dim3A_81 = vector.broadcast %broadcast_in_dim3A_80 : f32 to vector<16xf32>
      %swap3A_82 = arith.index_cast %add3A_51 : i32 to index
      %swap3A_83 = arith.constant 96 : index
      %swap3A_84 = tpu.vector_load %arg9[%swap3A_82, %swap3A_83] {strides = array<i32>} : memref<80x128xf32, #tpu.memory_space<vmem>>, vector<16xf32>,
      tpu.vector_store %arg9[%swap3A_82, %swap3A_83], %broadcast_in_dim3A_81 {strides = array<i32>} : memref<80x128xf32, #tpu.memory_space<vmem>>, vector<16xf32>,
      %broadcast_in_dim3A_85 = arith.constant 0.000000e+00 : f32
      %broadcast_in_dim3A_86 = vector.broadcast %broadcast_in_dim3A_85 : f32 to vector<16xf32>
      %swap3A_87 = arith.index_cast %add3A_51 : i32 to index
      %swap3A_88 = arith.constant 112 : index
      %swap3A_89 = tpu.vector_load %arg9[%swap3A_87, %swap3A_88] {strides = array<i32>} : memref<80x128xf32, #tpu.memory_space<vmem>>, vector<16xf32>,
      tpu.vector_store %arg9[%swap3A_87, %swap3A_88], %broadcast_in_dim3A_86 {strides = array<i32>} : memref<80x128xf32, #tpu.memory_space<vmem>>, vector<16xf32>,
      %broadcast_in_dim3A_90 = arith.constant 0.000000e+00 : f32
      %broadcast_in_dim3A_91 = vector.broadcast %broadcast_in_dim3A_90 : f32 to vector<16xf32>
      %swap3A_92 = arith.index_cast %add3A_51 : i32 to index
      %swap3A_93 = arith.constant 0 : index
      %swap3A_94 = tpu.vector_load %arg10[%swap3A_92, %swap3A_93] {strides = array<i32>} : memref<80x16xf32, #tpu.memory_space<vmem>>, vector<16xf32>,
      tpu.vector_store %arg10[%swap3A_92, %swap3A_93], %broadcast_in_dim3A_91 {strides = array<i32>} : memref<80x16xf32, #tpu.memory_space<vmem>>, vector<16xf32>,
    }
    %scan3A_8 = arith.constant 80 : i32
    %add3A_9 = arith.constant 0 : i32
    %add3A_10 = arith.addi %mul3A_4, %add3A_9 : i32
    "tpu.region"() ({
      %run_scoped3A = tpu.sem_alloc : memref<!tpu.dma_semaphore, #tpu.memory_space<semaphore_mem>>
      %dma_start3A = arith.constant 0 : i32
      %dma_start3A_47 = tpu.memref_slice %arg14[%add3A_10, %dma_start3A] : memref<10240x128xf32, #tpu.memory_space<vmem_shared>> -> memref<80x128xf32, #tpu.memory_space<vmem_shared>>
      %dma_start3A_48 = arith.constant 0 : i32
      %dma_start3A_49 = tpu.memref_slice %arg14[%add3A_10, %dma_start3A_48] : memref<10240x128xf32, #tpu.memory_space<vmem_shared>> -> memref<80x128xf32, #tpu.memory_space<vmem_shared>>
      tpu.enqueue_dma source(%arg9 : memref<80x128xf32, #tpu.memory_space<vmem>>) target(%dma_start3A_49 : memref<80x128xf32, #tpu.memory_space<vmem_shared>>) target_semaphore(%run_scoped3A : memref<!tpu.dma_semaphore, #tpu.memory_space<semaphore_mem>>)
      %dma_wait3A = arith.constant 0 : i32
      %dma_wait3A_50 = tpu.memref_slice %arg14[%add3A_10, %dma_wait3A] : memref<10240x128xf32, #tpu.memory_space<vmem_shared>> -> memref<80x128xf32, #tpu.memory_space<vmem_shared>>
      %dma_wait3A_51 = arith.constant 0 : i32
      %dma_wait3A_52 = tpu.memref_slice %arg14[%add3A_10, %dma_wait3A_51] : memref<10240x128xf32, #tpu.memory_space<vmem_shared>> -> memref<80x128xf32, #tpu.memory_space<vmem_shared>>
      tpu.wait_dma2 semaphore(%run_scoped3A : memref<!tpu.dma_semaphore, #tpu.memory_space<semaphore_mem>>) src(%arg9 : memref<80x128xf32, #tpu.memory_space<vmem>>) dst(%dma_wait3A_52 : memref<80x128xf32, #tpu.memory_space<vmem_shared>>)
      tpu.yield
    }) : () -> ()
    %add3A_11 = arith.constant 0 : i32
    %add3A_12 = arith.addi %mul3A_4, %add3A_11 : i32
    "tpu.region"() ({
      %run_scoped3A = tpu.sem_alloc : memref<!tpu.dma_semaphore, #tpu.memory_space<semaphore_mem>>
      %dma_start3A = arith.constant 0 : i32
      %dma_start3A_47 = tpu.memref_slice %arg15[%add3A_12, %dma_start3A] : memref<10240x16xf32, #tpu.memory_space<vmem_shared>> -> memref<80x16xf32, #tpu.memory_space<vmem_shared>>
      %dma_start3A_48 = arith.constant 0 : i32
      %dma_start3A_49 = tpu.memref_slice %arg15[%add3A_12, %dma_start3A_48] : memref<10240x16xf32, #tpu.memory_space<vmem_shared>> -> memref<80x16xf32, #tpu.memory_space<vmem_shared>>
      tpu.enqueue_dma source(%arg10 : memref<80x16xf32, #tpu.memory_space<vmem>>) target(%dma_start3A_49 : memref<80x16xf32, #tpu.memory_space<vmem_shared>>) target_semaphore(%run_scoped3A : memref<!tpu.dma_semaphore, #tpu.memory_space<semaphore_mem>>)
      %dma_wait3A = arith.constant 0 : i32
      %dma_wait3A_50 = tpu.memref_slice %arg15[%add3A_12, %dma_wait3A] : memref<10240x16xf32, #tpu.memory_space<vmem_shared>> -> memref<80x16xf32, #tpu.memory_space<vmem_shared>>
      %dma_wait3A_51 = arith.constant 0 : i32
      %dma_wait3A_52 = tpu.memref_slice %arg15[%add3A_12, %dma_wait3A_51] : memref<10240x16xf32, #tpu.memory_space<vmem_shared>> -> memref<80x16xf32, #tpu.memory_space<vmem_shared>>
      tpu.wait_dma2 semaphore(%run_scoped3A : memref<!tpu.dma_semaphore, #tpu.memory_space<semaphore_mem>>) src(%arg10 : memref<80x16xf32, #tpu.memory_space<vmem>>) dst(%dma_wait3A_52 : memref<80x16xf32, #tpu.memory_space<vmem_shared>>)
      tpu.yield
    }) : () -> ()
    %add3A_13 = arith.constant 80 : i32
    %add3A_14 = arith.addi %mul3A_4, %add3A_13 : i32
    "tpu.region"() ({
      %run_scoped3A = tpu.sem_alloc : memref<!tpu.dma_semaphore, #tpu.memory_space<semaphore_mem>>
      %dma_start3A = arith.constant 0 : i32
      %dma_start3A_47 = tpu.memref_slice %arg14[%add3A_14, %dma_start3A] : memref<10240x128xf32, #tpu.memory_space<vmem_shared>> -> memref<80x128xf32, #tpu.memory_space<vmem_shared>>
      %dma_start3A_48 = arith.constant 0 : i32
      %dma_start3A_49 = tpu.memref_slice %arg14[%add3A_14, %dma_start3A_48] : memref<10240x128xf32, #tpu.memory_space<vmem_shared>> -> memref<80x128xf32, #tpu.memory_space<vmem_shared>>
      tpu.enqueue_dma source(%arg9 : memref<80x128xf32, #tpu.memory_space<vmem>>) target(%dma_start3A_49 : memref<80x128xf32, #tpu.memory_space<vmem_shared>>) target_semaphore(%run_scoped3A : memref<!tpu.dma_semaphore, #tpu.memory_space<semaphore_mem>>)
      %dma_wait3A = arith.constant 0 : i32
      %dma_wait3A_50 = tpu.memref_slice %arg14[%add3A_14, %dma_wait3A] : memref<10240x128xf32, #tpu.memory_space<vmem_shared>> -> memref<80x128xf32, #tpu.memory_space<vmem_shared>>
      %dma_wait3A_51 = arith.constant 0 : i32
      %dma_wait3A_52 = tpu.memref_slice %arg14[%add3A_14, %dma_wait3A_51] : memref<10240x128xf32, #tpu.memory_space<vmem_shared>> -> memref<80x128xf32, #tpu.memory_space<vmem_shared>>
      tpu.wait_dma2 semaphore(%run_scoped3A : memref<!tpu.dma_semaphore, #tpu.memory_space<semaphore_mem>>) src(%arg9 : memref<80x128xf32, #tpu.memory_space<vmem>>) dst(%dma_wait3A_52 : memref<80x128xf32, #tpu.memory_space<vmem_shared>>)
      tpu.yield
    }) : () -> ()
    %add3A_15 = arith.constant 80 : i32
    %add3A_16 = arith.addi %mul3A_4, %add3A_15 : i32
    "tpu.region"() ({
      %run_scoped3A = tpu.sem_alloc : memref<!tpu.dma_semaphore, #tpu.memory_space<semaphore_mem>>
      %dma_start3A = arith.constant 0 : i32
      %dma_start3A_47 = tpu.memref_slice %arg15[%add3A_16, %dma_start3A] : memref<10240x16xf32, #tpu.memory_space<vmem_shared>> -> memref<80x16xf32, #tpu.memory_space<vmem_shared>>
      %dma_start3A_48 = arith.constant 0 : i32
      %dma_start3A_49 = tpu.memref_slice %arg15[%add3A_16, %dma_start3A_48] : memref<10240x16xf32, #tpu.memory_space<vmem_shared>> -> memref<80x16xf32, #tpu.memory_space<vmem_shared>>
      tpu.enqueue_dma source(%arg10 : memref<80x16xf32, #tpu.memory_space<vmem>>) target(%dma_start3A_49 : memref<80x16xf32, #tpu.memory_space<vmem_shared>>) target_semaphore(%run_scoped3A : memref<!tpu.dma_semaphore, #tpu.memory_space<semaphore_mem>>)
      %dma_wait3A = arith.constant 0 : i32
      %dma_wait3A_50 = tpu.memref_slice %arg15[%add3A_16, %dma_wait3A] : memref<10240x16xf32, #tpu.memory_space<vmem_shared>> -> memref<80x16xf32, #tpu.memory_space<vmem_shared>>
      %dma_wait3A_51 = arith.constant 0 : i32
      %dma_wait3A_52 = tpu.memref_slice %arg15[%add3A_16, %dma_wait3A_51] : memref<10240x16xf32, #tpu.memory_space<vmem_shared>> -> memref<80x16xf32, #tpu.memory_space<vmem_shared>>
      tpu.wait_dma2 semaphore(%run_scoped3A : memref<!tpu.dma_semaphore, #tpu.memory_space<semaphore_mem>>) src(%arg10 : memref<80x16xf32, #tpu.memory_space<vmem>>) dst(%dma_wait3A_52 : memref<80x16xf32, #tpu.memory_space<vmem_shared>>)
      tpu.yield
    }) : () -> ()
    %add3A_17 = arith.constant 160 : i32
    %add3A_18 = arith.addi %mul3A_4, %add3A_17 : i32
    "tpu.region"() ({
      %run_scoped3A = tpu.sem_alloc : memref<!tpu.dma_semaphore, #tpu.memory_space<semaphore_mem>>
      %dma_start3A = arith.constant 0 : i32
      %dma_start3A_47 = tpu.memref_slice %arg14[%add3A_18, %dma_start3A] : memref<10240x128xf32, #tpu.memory_space<vmem_shared>> -> memref<80x128xf32, #tpu.memory_space<vmem_shared>>
      %dma_start3A_48 = arith.constant 0 : i32
      %dma_start3A_49 = tpu.memref_slice %arg14[%add3A_18, %dma_start3A_48] : memref<10240x128xf32, #tpu.memory_space<vmem_shared>> -> memref<80x128xf32, #tpu.memory_space<vmem_shared>>
      tpu.enqueue_dma source(%arg9 : memref<80x128xf32, #tpu.memory_space<vmem>>) target(%dma_start3A_49 : memref<80x128xf32, #tpu.memory_space<vmem_shared>>) target_semaphore(%run_scoped3A : memref<!tpu.dma_semaphore, #tpu.memory_space<semaphore_mem>>)
      %dma_wait3A = arith.constant 0 : i32
      %dma_wait3A_50 = tpu.memref_slice %arg14[%add3A_18, %dma_wait3A] : memref<10240x128xf32, #tpu.memory_space<vmem_shared>> -> memref<80x128xf32, #tpu.memory_space<vmem_shared>>
      %dma_wait3A_51 = arith.constant 0 : i32
      %dma_wait3A_52 = tpu.memref_slice %arg14[%add3A_18, %dma_wait3A_51] : memref<10240x128xf32, #tpu.memory_space<vmem_shared>> -> memref<80x128xf32, #tpu.memory_space<vmem_shared>>
      tpu.wait_dma2 semaphore(%run_scoped3A : memref<!tpu.dma_semaphore, #tpu.memory_space<semaphore_mem>>) src(%arg9 : memref<80x128xf32, #tpu.memory_space<vmem>>) dst(%dma_wait3A_52 : memref<80x128xf32, #tpu.memory_space<vmem_shared>>)
      tpu.yield
    }) : () -> ()
    %add3A_19 = arith.constant 160 : i32
    %add3A_20 = arith.addi %mul3A_4, %add3A_19 : i32
    "tpu.region"() ({
      %run_scoped3A = tpu.sem_alloc : memref<!tpu.dma_semaphore, #tpu.memory_space<semaphore_mem>>
      %dma_start3A = arith.constant 0 : i32
      %dma_start3A_47 = tpu.memref_slice %arg15[%add3A_20, %dma_start3A] : memref<10240x16xf32, #tpu.memory_space<vmem_shared>> -> memref<80x16xf32, #tpu.memory_space<vmem_shared>>
      %dma_start3A_48 = arith.constant 0 : i32
      %dma_start3A_49 = tpu.memref_slice %arg15[%add3A_20, %dma_start3A_48] : memref<10240x16xf32, #tpu.memory_space<vmem_shared>> -> memref<80x16xf32, #tpu.memory_space<vmem_shared>>
      tpu.enqueue_dma source(%arg10 : memref<80x16xf32, #tpu.memory_space<vmem>>) target(%dma_start3A_49 : memref<80x16xf32, #tpu.memory_space<vmem_shared>>) target_semaphore(%run_scoped3A : memref<!tpu.dma_semaphore, #tpu.memory_space<semaphore_mem>>)
      %dma_wait3A = arith.constant 0 : i32
      %dma_wait3A_50 = tpu.memref_slice %arg15[%add3A_20, %dma_wait3A] : memref<10240x16xf32, #tpu.memory_space<vmem_shared>> -> memref<80x16xf32, #tpu.memory_space<vmem_shared>>
      %dma_wait3A_51 = arith.constant 0 : i32
      %dma_wait3A_52 = tpu.memref_slice %arg15[%add3A_20, %dma_wait3A_51] : memref<10240x16xf32, #tpu.memory_space<vmem_shared>> -> memref<80x16xf32, #tpu.memory_space<vmem_shared>>
      tpu.wait_dma2 semaphore(%run_scoped3A : memref<!tpu.dma_semaphore, #tpu.memory_space<semaphore_mem>>) src(%arg10 : memref<80x16xf32, #tpu.memory_space<vmem>>) dst(%dma_wait3A_52 : memref<80x16xf32, #tpu.memory_space<vmem_shared>>)
      tpu.yield
    }) : () -> ()
    %add3A_21 = arith.constant 240 : i32
    %add3A_22 = arith.addi %mul3A_4, %add3A_21 : i32
    "tpu.region"() ({
      %run_scoped3A = tpu.sem_alloc : memref<!tpu.dma_semaphore, #tpu.memory_space<semaphore_mem>>
      %dma_start3A = arith.constant 0 : i32
      %dma_start3A_47 = tpu.memref_slice %arg14[%add3A_22, %dma_start3A] : memref<10240x128xf32, #tpu.memory_space<vmem_shared>> -> memref<80x128xf32, #tpu.memory_space<vmem_shared>>
      %dma_start3A_48 = arith.constant 0 : i32
      %dma_start3A_49 = tpu.memref_slice %arg14[%add3A_22, %dma_start3A_48] : memref<10240x128xf32, #tpu.memory_space<vmem_shared>> -> memref<80x128xf32, #tpu.memory_space<vmem_shared>>
      tpu.enqueue_dma source(%arg9 : memref<80x128xf32, #tpu.memory_space<vmem>>) target(%dma_start3A_49 : memref<80x128xf32, #tpu.memory_space<vmem_shared>>) target_semaphore(%run_scoped3A : memref<!tpu.dma_semaphore, #tpu.memory_space<semaphore_mem>>)
      %dma_wait3A = arith.constant 0 : i32
      %dma_wait3A_50 = tpu.memref_slice %arg14[%add3A_22, %dma_wait3A] : memref<10240x128xf32, #tpu.memory_space<vmem_shared>> -> memref<80x128xf32, #tpu.memory_space<vmem_shared>>
      %dma_wait3A_51 = arith.constant 0 : i32
      %dma_wait3A_52 = tpu.memref_slice %arg14[%add3A_22, %dma_wait3A_51] : memref<10240x128xf32, #tpu.memory_space<vmem_shared>> -> memref<80x128xf32, #tpu.memory_space<vmem_shared>>
      tpu.wait_dma2 semaphore(%run_scoped3A : memref<!tpu.dma_semaphore, #tpu.memory_space<semaphore_mem>>) src(%arg9 : memref<80x128xf32, #tpu.memory_space<vmem>>) dst(%dma_wait3A_52 : memref<80x128xf32, #tpu.memory_space<vmem_shared>>)
      tpu.yield
    }) : () -> ()
    %add3A_23 = arith.constant 240 : i32
    %add3A_24 = arith.addi %mul3A_4, %add3A_23 : i32
    "tpu.region"() ({
      %run_scoped3A = tpu.sem_alloc : memref<!tpu.dma_semaphore, #tpu.memory_space<semaphore_mem>>
      %dma_start3A = arith.constant 0 : i32
      %dma_start3A_47 = tpu.memref_slice %arg15[%add3A_24, %dma_start3A] : memref<10240x16xf32, #tpu.memory_space<vmem_shared>> -> memref<80x16xf32, #tpu.memory_space<vmem_shared>>
      %dma_start3A_48 = arith.constant 0 : i32
      %dma_start3A_49 = tpu.memref_slice %arg15[%add3A_24, %dma_start3A_48] : memref<10240x16xf32, #tpu.memory_space<vmem_shared>> -> memref<80x16xf32, #tpu.memory_space<vmem_shared>>
      tpu.enqueue_dma source(%arg10 : memref<80x16xf32, #tpu.memory_space<vmem>>) target(%dma_start3A_49 : memref<80x16xf32, #tpu.memory_space<vmem_shared>>) target_semaphore(%run_scoped3A : memref<!tpu.dma_semaphore, #tpu.memory_space<semaphore_mem>>)
      %dma_wait3A = arith.constant 0 : i32
      %dma_wait3A_50 = tpu.memref_slice %arg15[%add3A_24, %dma_wait3A] : memref<10240x16xf32, #tpu.memory_space<vmem_shared>> -> memref<80x16xf32, #tpu.memory_space<vmem_shared>>
      %dma_wait3A_51 = arith.constant 0 : i32
      %dma_wait3A_52 = tpu.memref_slice %arg15[%add3A_24, %dma_wait3A_51] : memref<10240x16xf32, #tpu.memory_space<vmem_shared>> -> memref<80x16xf32, #tpu.memory_space<vmem_shared>>
      tpu.wait_dma2 semaphore(%run_scoped3A : memref<!tpu.dma_semaphore, #tpu.memory_space<semaphore_mem>>) src(%arg10 : memref<80x16xf32, #tpu.memory_space<vmem>>) dst(%dma_wait3A_52 : memref<80x16xf32, #tpu.memory_space<vmem_shared>>)
      tpu.yield
    }) : () -> ()
    %add3A_25 = arith.constant 320 : i32
    %add3A_26 = arith.addi %mul3A_4, %add3A_25 : i32
    "tpu.region"() ({
      %run_scoped3A = tpu.sem_alloc : memref<!tpu.dma_semaphore, #tpu.memory_space<semaphore_mem>>
      %dma_start3A = arith.constant 0 : i32
      %dma_start3A_47 = tpu.memref_slice %arg14[%add3A_26, %dma_start3A] : memref<10240x128xf32, #tpu.memory_space<vmem_shared>> -> memref<80x128xf32, #tpu.memory_space<vmem_shared>>
      %dma_start3A_48 = arith.constant 0 : i32
      %dma_start3A_49 = tpu.memref_slice %arg14[%add3A_26, %dma_start3A_48] : memref<10240x128xf32, #tpu.memory_space<vmem_shared>> -> memref<80x128xf32, #tpu.memory_space<vmem_shared>>
      tpu.enqueue_dma source(%arg9 : memref<80x128xf32, #tpu.memory_space<vmem>>) target(%dma_start3A_49 : memref<80x128xf32, #tpu.memory_space<vmem_shared>>) target_semaphore(%run_scoped3A : memref<!tpu.dma_semaphore, #tpu.memory_space<semaphore_mem>>)
      %dma_wait3A = arith.constant 0 : i32
      %dma_wait3A_50 = tpu.memref_slice %arg14[%add3A_26, %dma_wait3A] : memref<10240x128xf32, #tpu.memory_space<vmem_shared>> -> memref<80x128xf32, #tpu.memory_space<vmem_shared>>
      %dma_wait3A_51 = arith.constant 0 : i32
      %dma_wait3A_52 = tpu.memref_slice %arg14[%add3A_26, %dma_wait3A_51] : memref<10240x128xf32, #tpu.memory_space<vmem_shared>> -> memref<80x128xf32, #tpu.memory_space<vmem_shared>>
      tpu.wait_dma2 semaphore(%run_scoped3A : memref<!tpu.dma_semaphore, #tpu.memory_space<semaphore_mem>>) src(%arg9 : memref<80x128xf32, #tpu.memory_space<vmem>>) dst(%dma_wait3A_52 : memref<80x128xf32, #tpu.memory_space<vmem_shared>>)
      tpu.yield
    }) : () -> ()
    %add3A_27 = arith.constant 320 : i32
    %add3A_28 = arith.addi %mul3A_4, %add3A_27 : i32
    "tpu.region"() ({
      %run_scoped3A = tpu.sem_alloc : memref<!tpu.dma_semaphore, #tpu.memory_space<semaphore_mem>>
      %dma_start3A = arith.constant 0 : i32
      %dma_start3A_47 = tpu.memref_slice %arg15[%add3A_28, %dma_start3A] : memref<10240x16xf32, #tpu.memory_space<vmem_shared>> -> memref<80x16xf32, #tpu.memory_space<vmem_shared>>
      %dma_start3A_48 = arith.constant 0 : i32
      %dma_start3A_49 = tpu.memref_slice %arg15[%add3A_28, %dma_start3A_48] : memref<10240x16xf32, #tpu.memory_space<vmem_shared>> -> memref<80x16xf32, #tpu.memory_space<vmem_shared>>
      tpu.enqueue_dma source(%arg10 : memref<80x16xf32, #tpu.memory_space<vmem>>) target(%dma_start3A_49 : memref<80x16xf32, #tpu.memory_space<vmem_shared>>) target_semaphore(%run_scoped3A : memref<!tpu.dma_semaphore, #tpu.memory_space<semaphore_mem>>)
      %dma_wait3A = arith.constant 0 : i32
      %dma_wait3A_50 = tpu.memref_slice %arg15[%add3A_28, %dma_wait3A] : memref<10240x16xf32, #tpu.memory_space<vmem_shared>> -> memref<80x16xf32, #tpu.memory_space<vmem_shared>>
      %dma_wait3A_51 = arith.constant 0 : i32
      %dma_wait3A_52 = tpu.memref_slice %arg15[%add3A_28, %dma_wait3A_51] : memref<10240x16xf32, #tpu.memory_space<vmem_shared>> -> memref<80x16xf32, #tpu.memory_space<vmem_shared>>
      tpu.wait_dma2 semaphore(%run_scoped3A : memref<!tpu.dma_semaphore, #tpu.memory_space<semaphore_mem>>) src(%arg10 : memref<80x16xf32, #tpu.memory_space<vmem>>) dst(%dma_wait3A_52 : memref<80x16xf32, #tpu.memory_space<vmem_shared>>)
      tpu.yield
    }) : () -> ()
    %add3A_29 = arith.constant 400 : i32
    %add3A_30 = arith.addi %mul3A_4, %add3A_29 : i32
    "tpu.region"() ({
      %run_scoped3A = tpu.sem_alloc : memref<!tpu.dma_semaphore, #tpu.memory_space<semaphore_mem>>
      %dma_start3A = arith.constant 0 : i32
      %dma_start3A_47 = tpu.memref_slice %arg14[%add3A_30, %dma_start3A] : memref<10240x128xf32, #tpu.memory_space<vmem_shared>> -> memref<80x128xf32, #tpu.memory_space<vmem_shared>>
      %dma_start3A_48 = arith.constant 0 : i32
      %dma_start3A_49 = tpu.memref_slice %arg14[%add3A_30, %dma_start3A_48] : memref<10240x128xf32, #tpu.memory_space<vmem_shared>> -> memref<80x128xf32, #tpu.memory_space<vmem_shared>>
      tpu.enqueue_dma source(%arg9 : memref<80x128xf32, #tpu.memory_space<vmem>>) target(%dma_start3A_49 : memref<80x128xf32, #tpu.memory_space<vmem_shared>>) target_semaphore(%run_scoped3A : memref<!tpu.dma_semaphore, #tpu.memory_space<semaphore_mem>>)
      %dma_wait3A = arith.constant 0 : i32
      %dma_wait3A_50 = tpu.memref_slice %arg14[%add3A_30, %dma_wait3A] : memref<10240x128xf32, #tpu.memory_space<vmem_shared>> -> memref<80x128xf32, #tpu.memory_space<vmem_shared>>
      %dma_wait3A_51 = arith.constant 0 : i32
      %dma_wait3A_52 = tpu.memref_slice %arg14[%add3A_30, %dma_wait3A_51] : memref<10240x128xf32, #tpu.memory_space<vmem_shared>> -> memref<80x128xf32, #tpu.memory_space<vmem_shared>>
      tpu.wait_dma2 semaphore(%run_scoped3A : memref<!tpu.dma_semaphore, #tpu.memory_space<semaphore_mem>>) src(%arg9 : memref<80x128xf32, #tpu.memory_space<vmem>>) dst(%dma_wait3A_52 : memref<80x128xf32, #tpu.memory_space<vmem_shared>>)
      tpu.yield
    }) : () -> ()
    %add3A_31 = arith.constant 400 : i32
    %add3A_32 = arith.addi %mul3A_4, %add3A_31 : i32
    "tpu.region"() ({
      %run_scoped3A = tpu.sem_alloc : memref<!tpu.dma_semaphore, #tpu.memory_space<semaphore_mem>>
      %dma_start3A = arith.constant 0 : i32
      %dma_start3A_47 = tpu.memref_slice %arg15[%add3A_32, %dma_start3A] : memref<10240x16xf32, #tpu.memory_space<vmem_shared>> -> memref<80x16xf32, #tpu.memory_space<vmem_shared>>
      %dma_start3A_48 = arith.constant 0 : i32
      %dma_start3A_49 = tpu.memref_slice %arg15[%add3A_32, %dma_start3A_48] : memref<10240x16xf32, #tpu.memory_space<vmem_shared>> -> memref<80x16xf32, #tpu.memory_space<vmem_shared>>
      tpu.enqueue_dma source(%arg10 : memref<80x16xf32, #tpu.memory_space<vmem>>) target(%dma_start3A_49 : memref<80x16xf32, #tpu.memory_space<vmem_shared>>) target_semaphore(%run_scoped3A : memref<!tpu.dma_semaphore, #tpu.memory_space<semaphore_mem>>)
      %dma_wait3A = arith.constant 0 : i32
      %dma_wait3A_50 = tpu.memref_slice %arg15[%add3A_32, %dma_wait3A] : memref<10240x16xf32, #tpu.memory_space<vmem_shared>> -> memref<80x16xf32, #tpu.memory_space<vmem_shared>>
      %dma_wait3A_51 = arith.constant 0 : i32
      %dma_wait3A_52 = tpu.memref_slice %arg15[%add3A_32, %dma_wait3A_51] : memref<10240x16xf32, #tpu.memory_space<vmem_shared>> -> memref<80x16xf32, #tpu.memory_space<vmem_shared>>
      tpu.wait_dma2 semaphore(%run_scoped3A : memref<!tpu.dma_semaphore, #tpu.memory_space<semaphore_mem>>) src(%arg10 : memref<80x16xf32, #tpu.memory_space<vmem>>) dst(%dma_wait3A_52 : memref<80x16xf32, #tpu.memory_space<vmem_shared>>)
      tpu.yield
    }) : () -> ()
    %add3A_33 = arith.constant 480 : i32
    %add3A_34 = arith.addi %mul3A_4, %add3A_33 : i32
    "tpu.region"() ({
      %run_scoped3A = tpu.sem_alloc : memref<!tpu.dma_semaphore, #tpu.memory_space<semaphore_mem>>
      %dma_start3A = arith.constant 0 : i32
      %dma_start3A_47 = tpu.memref_slice %arg14[%add3A_34, %dma_start3A] : memref<10240x128xf32, #tpu.memory_space<vmem_shared>> -> memref<80x128xf32, #tpu.memory_space<vmem_shared>>
      %dma_start3A_48 = arith.constant 0 : i32
      %dma_start3A_49 = tpu.memref_slice %arg14[%add3A_34, %dma_start3A_48] : memref<10240x128xf32, #tpu.memory_space<vmem_shared>> -> memref<80x128xf32, #tpu.memory_space<vmem_shared>>
      tpu.enqueue_dma source(%arg9 : memref<80x128xf32, #tpu.memory_space<vmem>>) target(%dma_start3A_49 : memref<80x128xf32, #tpu.memory_space<vmem_shared>>) target_semaphore(%run_scoped3A : memref<!tpu.dma_semaphore, #tpu.memory_space<semaphore_mem>>)
      %dma_wait3A = arith.constant 0 : i32
      %dma_wait3A_50 = tpu.memref_slice %arg14[%add3A_34, %dma_wait3A] : memref<10240x128xf32, #tpu.memory_space<vmem_shared>> -> memref<80x128xf32, #tpu.memory_space<vmem_shared>>
      %dma_wait3A_51 = arith.constant 0 : i32
      %dma_wait3A_52 = tpu.memref_slice %arg14[%add3A_34, %dma_wait3A_51] : memref<10240x128xf32, #tpu.memory_space<vmem_shared>> -> memref<80x128xf32, #tpu.memory_space<vmem_shared>>
      tpu.wait_dma2 semaphore(%run_scoped3A : memref<!tpu.dma_semaphore, #tpu.memory_space<semaphore_mem>>) src(%arg9 : memref<80x128xf32, #tpu.memory_space<vmem>>) dst(%dma_wait3A_52 : memref<80x128xf32, #tpu.memory_space<vmem_shared>>)
      tpu.yield
    }) : () -> ()
    %add3A_35 = arith.constant 480 : i32
    %add3A_36 = arith.addi %mul3A_4, %add3A_35 : i32
    "tpu.region"() ({
      %run_scoped3A = tpu.sem_alloc : memref<!tpu.dma_semaphore, #tpu.memory_space<semaphore_mem>>
      %dma_start3A = arith.constant 0 : i32
      %dma_start3A_47 = tpu.memref_slice %arg15[%add3A_36, %dma_start3A] : memref<10240x16xf32, #tpu.memory_space<vmem_shared>> -> memref<80x16xf32, #tpu.memory_space<vmem_shared>>
      %dma_start3A_48 = arith.constant 0 : i32
      %dma_start3A_49 = tpu.memref_slice %arg15[%add3A_36, %dma_start3A_48] : memref<10240x16xf32, #tpu.memory_space<vmem_shared>> -> memref<80x16xf32, #tpu.memory_space<vmem_shared>>
      tpu.enqueue_dma source(%arg10 : memref<80x16xf32, #tpu.memory_space<vmem>>) target(%dma_start3A_49 : memref<80x16xf32, #tpu.memory_space<vmem_shared>>) target_semaphore(%run_scoped3A : memref<!tpu.dma_semaphore, #tpu.memory_space<semaphore_mem>>)
      %dma_wait3A = arith.constant 0 : i32
      %dma_wait3A_50 = tpu.memref_slice %arg15[%add3A_36, %dma_wait3A] : memref<10240x16xf32, #tpu.memory_space<vmem_shared>> -> memref<80x16xf32, #tpu.memory_space<vmem_shared>>
      %dma_wait3A_51 = arith.constant 0 : i32
      %dma_wait3A_52 = tpu.memref_slice %arg15[%add3A_36, %dma_wait3A_51] : memref<10240x16xf32, #tpu.memory_space<vmem_shared>> -> memref<80x16xf32, #tpu.memory_space<vmem_shared>>
      tpu.wait_dma2 semaphore(%run_scoped3A : memref<!tpu.dma_semaphore, #tpu.memory_space<semaphore_mem>>) src(%arg10 : memref<80x16xf32, #tpu.memory_space<vmem>>) dst(%dma_wait3A_52 : memref<80x16xf32, #tpu.memory_space<vmem_shared>>)
      tpu.yield
    }) : () -> ()
    %add3A_37 = arith.constant 560 : i32
    %add3A_38 = arith.addi %mul3A_4, %add3A_37 : i32
    "tpu.region"() ({
      %run_scoped3A = tpu.sem_alloc : memref<!tpu.dma_semaphore, #tpu.memory_space<semaphore_mem>>
      %dma_start3A = arith.constant 0 : i32
      %dma_start3A_47 = tpu.memref_slice %arg14[%add3A_38, %dma_start3A] : memref<10240x128xf32, #tpu.memory_space<vmem_shared>> -> memref<80x128xf32, #tpu.memory_space<vmem_shared>>
      %dma_start3A_48 = arith.constant 0 : i32
      %dma_start3A_49 = tpu.memref_slice %arg14[%add3A_38, %dma_start3A_48] : memref<10240x128xf32, #tpu.memory_space<vmem_shared>> -> memref<80x128xf32, #tpu.memory_space<vmem_shared>>
      tpu.enqueue_dma source(%arg9 : memref<80x128xf32, #tpu.memory_space<vmem>>) target(%dma_start3A_49 : memref<80x128xf32, #tpu.memory_space<vmem_shared>>) target_semaphore(%run_scoped3A : memref<!tpu.dma_semaphore, #tpu.memory_space<semaphore_mem>>)
      %dma_wait3A = arith.constant 0 : i32
      %dma_wait3A_50 = tpu.memref_slice %arg14[%add3A_38, %dma_wait3A] : memref<10240x128xf32, #tpu.memory_space<vmem_shared>> -> memref<80x128xf32, #tpu.memory_space<vmem_shared>>
      %dma_wait3A_51 = arith.constant 0 : i32
      %dma_wait3A_52 = tpu.memref_slice %arg14[%add3A_38, %dma_wait3A_51] : memref<10240x128xf32, #tpu.memory_space<vmem_shared>> -> memref<80x128xf32, #tpu.memory_space<vmem_shared>>
      tpu.wait_dma2 semaphore(%run_scoped3A : memref<!tpu.dma_semaphore, #tpu.memory_space<semaphore_mem>>) src(%arg9 : memref<80x128xf32, #tpu.memory_space<vmem>>) dst(%dma_wait3A_52 : memref<80x128xf32, #tpu.memory_space<vmem_shared>>)
      tpu.yield
    }) : () -> ()
    %add3A_39 = arith.constant 560 : i32
    %add3A_40 = arith.addi %mul3A_4, %add3A_39 : i32
    "tpu.region"() ({
      %run_scoped3A = tpu.sem_alloc : memref<!tpu.dma_semaphore, #tpu.memory_space<semaphore_mem>>
      %dma_start3A = arith.constant 0 : i32
      %dma_start3A_47 = tpu.memref_slice %arg15[%add3A_40, %dma_start3A] : memref<10240x16xf32, #tpu.memory_space<vmem_shared>> -> memref<80x16xf32, #tpu.memory_space<vmem_shared>>
      %dma_start3A_48 = arith.constant 0 : i32
      %dma_start3A_49 = tpu.memref_slice %arg15[%add3A_40, %dma_start3A_48] : memref<10240x16xf32, #tpu.memory_space<vmem_shared>> -> memref<80x16xf32, #tpu.memory_space<vmem_shared>>
      tpu.enqueue_dma source(%arg10 : memref<80x16xf32, #tpu.memory_space<vmem>>) target(%dma_start3A_49 : memref<80x16xf32, #tpu.memory_space<vmem_shared>>) target_semaphore(%run_scoped3A : memref<!tpu.dma_semaphore, #tpu.memory_space<semaphore_mem>>)
      %dma_wait3A = arith.constant 0 : i32
      %dma_wait3A_50 = tpu.memref_slice %arg15[%add3A_40, %dma_wait3A] : memref<10240x16xf32, #tpu.memory_space<vmem_shared>> -> memref<80x16xf32, #tpu.memory_space<vmem_shared>>
      %dma_wait3A_51 = arith.constant 0 : i32
      %dma_wait3A_52 = tpu.memref_slice %arg15[%add3A_40, %dma_wait3A_51] : memref<10240x16xf32, #tpu.memory_space<vmem_shared>> -> memref<80x16xf32, #tpu.memory_space<vmem_shared>>
      tpu.wait_dma2 semaphore(%run_scoped3A : memref<!tpu.dma_semaphore, #tpu.memory_space<semaphore_mem>>) src(%arg10 : memref<80x16xf32, #tpu.memory_space<vmem>>) dst(%dma_wait3A_52 : memref<80x16xf32, #tpu.memory_space<vmem_shared>>)
      tpu.yield
    }) : () -> ()
    %barrier3A = arith.constant 0 : index
    tpu.barrier barrier_id(%barrier3A)
    %scan3A_41 = arith.constant 0 : i32
    %scan3A_42 = arith.constant 125 : i32
    %scan3A_43 = arith.addi %scan3A_41, %scan3A_42 : i32
    %scan3A_44 = arith.constant 1 : i32
    scf.for %scan3A_47 = %scan3A_41 to %scan3A_43 step %scan3A_44  : i32 {
      %mul3A_48 = arith.constant 1 : i32
      %mul3A_49 = arith.muli %scan3A_47, %mul3A_48 : i32
      %add3A_50 = arith.constant 0 : i32
      %add3A_51 = arith.addi %add3A_50, %mul3A_49 : i32
      %mul3A_52 = arith.constant 80 : i32
      %mul3A_53 = arith.muli %add3A_51, %mul3A_52 : i32
      %add3A_54 = arith.addi %mul3A_2, %mul3A_53 : i32
      "tpu.region"() ({
        %run_scoped3A = tpu.sem_alloc : memref<!tpu.dma_semaphore, #tpu.memory_space<semaphore_mem>>
        %dma_start3A = arith.constant 0 : i32
        %dma_start3A_60 = tpu.memref_slice %arg2[%add3A_54, %dma_start3A] : memref<320000x128xf32, #tpu.memory_space<hbm>> -> memref<80x128xf32, #tpu.memory_space<hbm>>
        %dma_start3A_61 = arith.constant 0 : i32
        %dma_start3A_62 = tpu.memref_slice %arg2[%add3A_54, %dma_start3A_61] : memref<320000x128xf32, #tpu.memory_space<hbm>> -> memref<80x128xf32, #tpu.memory_space<hbm>>
        tpu.enqueue_dma source(%dma_start3A_62 : memref<80x128xf32, #tpu.memory_space<hbm>>) target(%arg9 : memref<80x128xf32, #tpu.memory_space<vmem>>) target_semaphore(%run_scoped3A : memref<!tpu.dma_semaphore, #tpu.memory_space<semaphore_mem>>)
        %dma_wait3A = arith.constant 0 : i32
        %dma_wait3A_63 = tpu.memref_slice %arg2[%add3A_54, %dma_wait3A] : memref<320000x128xf32, #tpu.memory_space<hbm>> -> memref<80x128xf32, #tpu.memory_space<hbm>>
        %dma_wait3A_64 = arith.constant 0 : i32
        %dma_wait3A_65 = tpu.memref_slice %arg2[%add3A_54, %dma_wait3A_64] : memref<320000x128xf32, #tpu.memory_space<hbm>> -> memref<80x128xf32, #tpu.memory_space<hbm>>
        tpu.wait_dma2 semaphore(%run_scoped3A : memref<!tpu.dma_semaphore, #tpu.memory_space<semaphore_mem>>) src(%dma_wait3A_65 : memref<80x128xf32, #tpu.memory_space<hbm>>) dst(%arg9 : memref<80x128xf32, #tpu.memory_space<vmem>>)
        tpu.yield
      }) : () -> ()
      "tpu.region"() ({
        %run_scoped3A = tpu.sem_alloc : memref<!tpu.dma_semaphore, #tpu.memory_space<semaphore_mem>>
        %dma_start3A = tpu.memref_slice %arg3[%add3A_54] : memref<320000xf32, #tpu.memory_space<hbm>> -> memref<80xf32, #tpu.memory_space<hbm>>
        %dma_start3A_60 = tpu.memref_slice %arg3[%add3A_54] : memref<320000xf32, #tpu.memory_space<hbm>> -> memref<80xf32, #tpu.memory_space<hbm>>
        tpu.enqueue_dma source(%dma_start3A_60 : memref<80xf32, #tpu.memory_space<hbm>>) target(%arg11 : memref<80xf32, #tpu.memory_space<vmem>>) target_semaphore(%run_scoped3A : memref<!tpu.dma_semaphore, #tpu.memory_space<semaphore_mem>>)
        %dma_wait3A = tpu.memref_slice %arg3[%add3A_54] : memref<320000xf32, #tpu.memory_space<hbm>> -> memref<80xf32, #tpu.memory_space<hbm>>
        %dma_wait3A_61 = tpu.memref_slice %arg3[%add3A_54] : memref<320000xf32, #tpu.memory_space<hbm>> -> memref<80xf32, #tpu.memory_space<hbm>>
        tpu.wait_dma2 semaphore(%run_scoped3A : memref<!tpu.dma_semaphore, #tpu.memory_space<semaphore_mem>>) src(%dma_wait3A_61 : memref<80xf32, #tpu.memory_space<hbm>>) dst(%arg11 : memref<80xf32, #tpu.memory_space<vmem>>)
        tpu.yield
      }) : () -> ()
      "tpu.region"() ({
        %run_scoped3A = tpu.sem_alloc : memref<!tpu.dma_semaphore, #tpu.memory_space<semaphore_mem>>
        %dma_start3A = tpu.memref_slice %arg4[%add3A_54] : memref<320000xi32, #tpu.memory_space<hbm>> -> memref<80xi32, #tpu.memory_space<hbm>>
        %dma_start3A_60 = tpu.memref_slice %arg4[%add3A_54] : memref<320000xi32, #tpu.memory_space<hbm>> -> memref<80xi32, #tpu.memory_space<hbm>>
        tpu.enqueue_dma source(%dma_start3A_60 : memref<80xi32, #tpu.memory_space<hbm>>) target(%arg12 : memref<80xi32, #tpu.memory_space<vmem>>) target_semaphore(%run_scoped3A : memref<!tpu.dma_semaphore, #tpu.memory_space<semaphore_mem>>)
        %dma_wait3A = tpu.memref_slice %arg4[%add3A_54] : memref<320000xi32, #tpu.memory_space<hbm>> -> memref<80xi32, #tpu.memory_space<hbm>>
        %dma_wait3A_61 = tpu.memref_slice %arg4[%add3A_54] : memref<320000xi32, #tpu.memory_space<hbm>> -> memref<80xi32, #tpu.memory_space<hbm>>
        tpu.wait_dma2 semaphore(%run_scoped3A : memref<!tpu.dma_semaphore, #tpu.memory_space<semaphore_mem>>) src(%dma_wait3A_61 : memref<80xi32, #tpu.memory_space<hbm>>) dst(%arg12 : memref<80xi32, #tpu.memory_space<vmem>>)
        tpu.yield
      }) : () -> ()
      "tpu.region"() ({
        %run_scoped3A = tpu.sem_alloc : memref<!tpu.dma_semaphore, #tpu.memory_space<semaphore_mem>>
        %dma_start3A = tpu.memref_slice %arg5[%add3A_54] : memref<320000xi32, #tpu.memory_space<hbm>> -> memref<80xi32, #tpu.memory_space<hbm>>
        %dma_start3A_60 = tpu.memref_slice %arg5[%add3A_54] : memref<320000xi32, #tpu.memory_space<hbm>> -> memref<80xi32, #tpu.memory_space<hbm>>
        tpu.enqueue_dma source(%dma_start3A_60 : memref<80xi32, #tpu.memory_space<hbm>>) target(%arg13 : memref<80xi32, #tpu.memory_space<vmem>>) target_semaphore(%run_scoped3A : memref<!tpu.dma_semaphore, #tpu.memory_space<semaphore_mem>>)
        %dma_wait3A = tpu.memref_slice %arg5[%add3A_54] : memref<320000xi32, #tpu.memory_space<hbm>> -> memref<80xi32, #tpu.memory_space<hbm>>
        %dma_wait3A_61 = tpu.memref_slice %arg5[%add3A_54] : memref<320000xi32, #tpu.memory_space<hbm>> -> memref<80xi32, #tpu.memory_space<hbm>>
        tpu.wait_dma2 semaphore(%run_scoped3A : memref<!tpu.dma_semaphore, #tpu.memory_space<semaphore_mem>>) src(%dma_wait3A_61 : memref<80xi32, #tpu.memory_space<hbm>>) dst(%arg13 : memref<80xi32, #tpu.memory_space<vmem>>)
        tpu.yield
      }) : () -> ()
      "tpu.region"() ({
        %run_scoped3A = tpu.sem_alloc : memref<!tpu.dma_semaphore, #tpu.memory_space<semaphore_mem>>
        %dma_start3A = arith.constant 0 : i32
        %dma_start3A_60 = tpu.memref_slice %arg6[%add3A_54, %dma_start3A] : memref<320000x16xf32, #tpu.memory_space<hbm>> -> memref<80x16xf32, #tpu.memory_space<hbm>>
        %dma_start3A_61 = arith.constant 0 : i32
        %dma_start3A_62 = tpu.memref_slice %arg6[%add3A_54, %dma_start3A_61] : memref<320000x16xf32, #tpu.memory_space<hbm>> -> memref<80x16xf32, #tpu.memory_space<hbm>>
        tpu.enqueue_dma source(%dma_start3A_62 : memref<80x16xf32, #tpu.memory_space<hbm>>) target(%arg10 : memref<80x16xf32, #tpu.memory_space<vmem>>) target_semaphore(%run_scoped3A : memref<!tpu.dma_semaphore, #tpu.memory_space<semaphore_mem>>)
        %dma_wait3A = arith.constant 0 : i32
        %dma_wait3A_63 = tpu.memref_slice %arg6[%add3A_54, %dma_wait3A] : memref<320000x16xf32, #tpu.memory_space<hbm>> -> memref<80x16xf32, #tpu.memory_space<hbm>>
        %dma_wait3A_64 = arith.constant 0 : i32
        %dma_wait3A_65 = tpu.memref_slice %arg6[%add3A_54, %dma_wait3A_64] : memref<320000x16xf32, #tpu.memory_space<hbm>> -> memref<80x16xf32, #tpu.memory_space<hbm>>
        tpu.wait_dma2 semaphore(%run_scoped3A : memref<!tpu.dma_semaphore, #tpu.memory_space<semaphore_mem>>) src(%dma_wait3A_65 : memref<80x16xf32, #tpu.memory_space<hbm>>) dst(%arg10 : memref<80x16xf32, #tpu.memory_space<vmem>>)
        tpu.yield
      }) : () -> ()
      %scan3A_55 = arith.constant 0 : i32
      %scan3A_56 = arith.constant 5 : i32
      %scan3A_57 = arith.addi %scan3A_55, %scan3A_56 : i32
      %scan3A_58 = arith.constant 1 : i32
      scf.for %scan3A_60 = %scan3A_55 to %scan3A_57 step %scan3A_58  : i32 {
        %mul3A_61 = arith.constant 1 : i32
        %mul3A_62 = arith.muli %scan3A_60, %mul3A_61 : i32
        %add3A_63 = arith.constant 0 : i32
        %add3A_64 = arith.addi %add3A_63, %mul3A_62 : i32
        %mul3A_65 = arith.constant 16 : i32
        %mul3A_66 = arith.muli %add3A_64, %mul3A_65 : i32
        %get3A = arith.index_cast %mul3A_66 : i32 to index
        %get3A_67 = tpu.vector_load %arg11[%get3A] {strides = array<i32>} : memref<80xf32, #tpu.memory_space<vmem>>, vector<16xf32>,
        %mul3A_68 = arith.constant 16 : i32
        %mul3A_69 = arith.muli %add3A_64, %mul3A_68 : i32
        %iota3A = tpu.iota {dimensions = array<i32: 0>} : vector<16xi32>
        %add3A_70 = vector.broadcast %mul3A_69 : i32 to vector<16xi32>
        %add3A_71 = arith.addi %add3A_70, %iota3A : vector<16xi32>
        %broadcast_in_dim3A = arith.constant 0 : i32
        %broadcast_in_dim3A_72 = vector.broadcast %broadcast_in_dim3A : i32 to vector<16xi32>
        %gather3A = tpu.vector_load_idx %arg10[%add3A_71, %broadcast_in_dim3A_72] : memref<80x16xf32, #tpu.memory_space<vmem>>[vector<16xi32>, vector<16xi32>], vector<16xf32>,
        %mul3A_73 = arith.mulf %gather3A, %get3A_67 : vector<16xf32>
        %jit3A = arith.constant -1.000000e+02 : f32
        %jit3A_74 = arith.constant 1.000000e+02 : f32
        %max3A = vector.broadcast %jit3A : f32 to vector<16xf32>
        %max3A_75 = arith.maximumf %max3A, %mul3A_73 : vector<16xf32>
        %min3A = vector.broadcast %jit3A_74 : f32 to vector<16xf32>
        %min3A_76 = arith.minimumf %min3A, %max3A_75 : vector<16xf32>
        tpu.vector_store_idx %arg10[%add3A_71, %broadcast_in_dim3A_72], %min3A_76 : memref<80x16xf32, #tpu.memory_space<vmem>>[vector<16xi32>, vector<16xi32>], vector<16xf32>,
        %broadcast_in_dim3A_77 = arith.constant 1 : i32
        %broadcast_in_dim3A_78 = vector.broadcast %broadcast_in_dim3A_77 : i32 to vector<16xi32>
        %gather3A_79 = tpu.vector_load_idx %arg10[%add3A_71, %broadcast_in_dim3A_78] : memref<80x16xf32, #tpu.memory_space<vmem>>[vector<16xi32>, vector<16xi32>], vector<16xf32>,
        %mul3A_80 = arith.mulf %gather3A_79, %get3A_67 : vector<16xf32>
        %jit3A_81 = arith.constant -1.000000e+02 : f32
        %jit3A_82 = arith.constant 1.000000e+02 : f32
        %max3A_83 = vector.broadcast %jit3A_81 : f32 to vector<16xf32>
        %max3A_84 = arith.maximumf %max3A_83, %mul3A_80 : vector<16xf32>
        %min3A_85 = vector.broadcast %jit3A_82 : f32 to vector<16xf32>
        %min3A_86 = arith.minimumf %min3A_85, %max3A_84 : vector<16xf32>
        tpu.vector_store_idx %arg10[%add3A_71, %broadcast_in_dim3A_78], %min3A_86 : memref<80x16xf32, #tpu.memory_space<vmem>>[vector<16xi32>, vector<16xi32>], vector<16xf32>,
        %broadcast_in_dim3A_87 = arith.constant 2 : i32
        %broadcast_in_dim3A_88 = vector.broadcast %broadcast_in_dim3A_87 : i32 to vector<16xi32>
        %gather3A_89 = tpu.vector_load_idx %arg10[%add3A_71, %broadcast_in_dim3A_88] : memref<80x16xf32, #tpu.memory_space<vmem>>[vector<16xi32>, vector<16xi32>], vector<16xf32>,
        %mul3A_90 = arith.mulf %gather3A_89, %get3A_67 : vector<16xf32>
        %jit3A_91 = arith.constant -1.000000e+02 : f32
        %jit3A_92 = arith.constant 1.000000e+02 : f32
        %max3A_93 = vector.broadcast %jit3A_91 : f32 to vector<16xf32>
        %max3A_94 = arith.maximumf %max3A_93, %mul3A_90 : vector<16xf32>
        %min3A_95 = vector.broadcast %jit3A_92 : f32 to vector<16xf32>
        %min3A_96 = arith.minimumf %min3A_95, %max3A_94 : vector<16xf32>
        tpu.vector_store_idx %arg10[%add3A_71, %broadcast_in_dim3A_88], %min3A_96 : memref<80x16xf32, #tpu.memory_space<vmem>>[vector<16xi32>, vector<16xi32>], vector<16xf32>,
      }
      %scan3A_59 = arith.constant 5 : i32
      "tpu.region"() ({
        %run_scoped3A = tpu.sem_alloc : memref<!tpu.dma_semaphore, #tpu.memory_space<semaphore_mem>>
        %dma_start3A = arith.constant 0 : i32
        %dma_start3A_60 = arith.constant 0 : i32
        %dma_start3A_61 = tpu.memref_slice %arg14[%dma_start3A, %dma_start3A_60] : memref<10240x128xf32, #tpu.memory_space<vmem_shared>> -> memref<10240x128xf32, #tpu.memory_space<vmem_shared>>
        tpu.enqueue_indirect_dma source(%arg9 : memref<80x128xf32, #tpu.memory_space<vmem>>) target(%dma_start3A_61 : memref<10240x128xf32, #tpu.memory_space<vmem_shared>>) offsets(%arg13 : memref<80xi32, #tpu.memory_space<vmem>>) semaphore(%run_scoped3A : memref<!tpu.dma_semaphore, #tpu.memory_space<semaphore_mem>>) {add = true}
        %dma_wait3A = arith.constant 0 : i32
        %dma_wait3A_62 = arith.constant 0 : i32
        %dma_wait3A_63 = tpu.memref_slice %arg14[%dma_wait3A, %dma_wait3A_62] : memref<10240x128xf32, #tpu.memory_space<vmem_shared>> -> memref<10240x128xf32, #tpu.memory_space<vmem_shared>>
        tpu.wait_indirect_dma semaphore(%run_scoped3A : memref<!tpu.dma_semaphore, #tpu.memory_space<semaphore_mem>>) src(%arg9 : memref<80x128xf32, #tpu.memory_space<vmem>>) dst(%dma_wait3A_63 : memref<10240x128xf32, #tpu.memory_space<vmem_shared>>)
        tpu.yield
      }) : () -> ()
      "tpu.region"() ({
        %run_scoped3A = tpu.sem_alloc : memref<!tpu.dma_semaphore, #tpu.memory_space<semaphore_mem>>
        %dma_start3A = arith.constant 0 : i32
        %dma_start3A_60 = arith.constant 0 : i32
        %dma_start3A_61 = tpu.memref_slice %arg15[%dma_start3A, %dma_start3A_60] : memref<10240x16xf32, #tpu.memory_space<vmem_shared>> -> memref<10240x16xf32, #tpu.memory_space<vmem_shared>>
        tpu.enqueue_indirect_dma source(%arg10 : memref<80x16xf32, #tpu.memory_space<vmem>>) target(%dma_start3A_61 : memref<10240x16xf32, #tpu.memory_space<vmem_shared>>) offsets(%arg12 : memref<80xi32, #tpu.memory_space<vmem>>) semaphore(%run_scoped3A : memref<!tpu.dma_semaphore, #tpu.memory_space<semaphore_mem>>) {add = true}
        %dma_wait3A = arith.constant 0 : i32
        %dma_wait3A_62 = arith.constant 0 : i32
        %dma_wait3A_63 = tpu.memref_slice %arg15[%dma_wait3A, %dma_wait3A_62] : memref<10240x16xf32, #tpu.memory_space<vmem_shared>> -> memref<10240x16xf32, #tpu.memory_space<vmem_shared>>
        tpu.wait_indirect_dma semaphore(%run_scoped3A : memref<!tpu.dma_semaphore, #tpu.memory_space<semaphore_mem>>) src(%arg10 : memref<80x16xf32, #tpu.memory_space<vmem>>) dst(%dma_wait3A_63 : memref<10240x16xf32, #tpu.memory_space<vmem_shared>>)
        tpu.yield
      }) : () -> ()
    }
    %scan3A_45 = arith.constant 125 : i32
    %barrier3A_46 = arith.constant 0 : index
    tpu.barrier barrier_id(%barrier3A_46)
    "tpu.region"() ({
      %run_scoped3A = tpu.sem_alloc : memref<!tpu.dma_semaphore, #tpu.memory_space<semaphore_mem>>
      %dma_start3A = arith.constant 0 : i32
      %dma_start3A_47 = tpu.memref_slice %arg7[%arg0, %mul3A_4, %dma_start3A] : memref<2x10240x128xf32, #tpu.memory_space<hbm>> -> memref<1x640x128xf32, #tpu.memory_space<hbm>>
      %dma_start3A_48 = tpu.memref_squeeze %dma_start3A_47 : memref<1x640x128xf32, #tpu.memory_space<hbm>> -> memref<640x128xf32, #tpu.memory_space<hbm>>
      %dma_start3A_49 = arith.constant 0 : i32
      %dma_start3A_50 = tpu.memref_slice %arg14[%mul3A_4, %dma_start3A_49] : memref<10240x128xf32, #tpu.memory_space<vmem_shared>> -> memref<640x128xf32, #tpu.memory_space<vmem_shared>>
      tpu.enqueue_dma source(%dma_start3A_50 : memref<640x128xf32, #tpu.memory_space<vmem_shared>>) target(%dma_start3A_48 : memref<640x128xf32, #tpu.memory_space<hbm>>) target_semaphore(%run_scoped3A : memref<!tpu.dma_semaphore, #tpu.memory_space<semaphore_mem>>)
      %dma_wait3A = arith.constant 0 : i32
      %dma_wait3A_51 = tpu.memref_slice %arg7[%arg0, %mul3A_4, %dma_wait3A] : memref<2x10240x128xf32, #tpu.memory_space<hbm>> -> memref<1x640x128xf32, #tpu.memory_space<hbm>>
      %dma_wait3A_52 = tpu.memref_squeeze %dma_wait3A_51 : memref<1x640x128xf32, #tpu.memory_space<hbm>> -> memref<640x128xf32, #tpu.memory_space<hbm>>
      %dma_wait3A_53 = arith.constant 0 : i32
      %dma_wait3A_54 = tpu.memref_slice %arg14[%mul3A_4, %dma_wait3A_53] : memref<10240x128xf32, #tpu.memory_space<vmem_shared>> -> memref<640x128xf32, #tpu.memory_space<vmem_shared>>
      tpu.wait_dma2 semaphore(%run_scoped3A : memref<!tpu.dma_semaphore, #tpu.memory_space<semaphore_mem>>) src(%dma_wait3A_54 : memref<640x128xf32, #tpu.memory_space<vmem_shared>>) dst(%dma_wait3A_52 : memref<640x128xf32, #tpu.memory_space<hbm>>)
      tpu.yield
    }) : () -> ()
    "tpu.region"() ({
      %run_scoped3A = tpu.sem_alloc : memref<!tpu.dma_semaphore, #tpu.memory_space<semaphore_mem>>
      %dma_start3A = arith.constant 0 : i32
      %dma_start3A_47 = tpu.memref_slice %arg8[%arg0, %mul3A_4, %dma_start3A] : memref<2x10240x16xf32, #tpu.memory_space<hbm>> -> memref<1x640x16xf32, #tpu.memory_space<hbm>>
      %dma_start3A_48 = tpu.memref_squeeze %dma_start3A_47 : memref<1x640x16xf32, #tpu.memory_space<hbm>> -> memref<640x16xf32, #tpu.memory_space<hbm>>
      %dma_start3A_49 = arith.constant 0 : i32
      %dma_start3A_50 = tpu.memref_slice %arg15[%mul3A_4, %dma_start3A_49] : memref<10240x16xf32, #tpu.memory_space<vmem_shared>> -> memref<640x16xf32, #tpu.memory_space<vmem_shared>>
      tpu.enqueue_dma source(%dma_start3A_50 : memref<640x16xf32, #tpu.memory_space<vmem_shared>>) target(%dma_start3A_48 : memref<640x16xf32, #tpu.memory_space<hbm>>) target_semaphore(%run_scoped3A : memref<!tpu.dma_semaphore, #tpu.memory_space<semaphore_mem>>)
      %dma_wait3A = arith.constant 0 : i32
      %dma_wait3A_51 = tpu.memref_slice %arg8[%arg0, %mul3A_4, %dma_wait3A] : memref<2x10240x16xf32, #tpu.memory_space<hbm>> -> memref<1x640x16xf32, #tpu.memory_space<hbm>>
      %dma_wait3A_52 = tpu.memref_squeeze %dma_wait3A_51 : memref<1x640x16xf32, #tpu.memory_space<hbm>> -> memref<640x16xf32, #tpu.memory_space<hbm>>
      %dma_wait3A_53 = arith.constant 0 : i32
      %dma_wait3A_54 = tpu.memref_slice %arg15[%mul3A_4, %dma_wait3A_53] : memref<10240x16xf32, #tpu.memory_space<vmem_shared>> -> memref<640x16xf32, #tpu.memory_space<vmem_shared>>
      tpu.wait_dma2 semaphore(%run_scoped3A : memref<!tpu.dma_semaphore, #tpu.memory_space<semaphore_mem>>) src(%dma_wait3A_54 : memref<640x16xf32, #tpu.memory_space<vmem_shared>>) dst(%dma_wait3A_52 : memref<640x16xf32, #tpu.memory_space<hbm>>)
      tpu.yield
    }) : () -> ()
    return
  }
}

#map = affine_map<(d0, d1) -> (0, 0)>
#map1 = affine_map<(d0, d1) -> (0)>
module attributes {stable_mosaic.version = 14 : i64} {
  func.func @_sc_gather_body(%arg0: i32, %arg1: i32, %arg2: memref<10000x128xf32, #tpu.memory_space<hbm>>, %arg3: memref<10000x128xf32, #tpu.memory_space<hbm>>, %arg4: memref<320000xi32, #tpu.memory_space<hbm>>, %arg5: memref<320000xi32, #tpu.memory_space<hbm>>, %arg6: memref<10000xf32, #tpu.memory_space<hbm>>, %arg7: memref<10000xf32, #tpu.memory_space<hbm>>, %arg8: memref<10000xf32, #tpu.memory_space<hbm>>, %arg9: memref<320000x128xf32, #tpu.memory_space<hbm>>, %arg10: memref<320000x16xf32, #tpu.memory_space<hbm>>, %arg11: memref<80x128xf32, #tpu.memory_space<vmem>>, %arg12: memref<80x128xf32, #tpu.memory_space<vmem>>, %arg13: memref<80xi32, #tpu.memory_space<vmem>>, %arg14: memref<80xi32, #tpu.memory_space<vmem>>, %arg15: memref<80x16xf32, #tpu.memory_space<vmem>>, %arg16: memref<10000xf32, #tpu.memory_space<vmem>>, %arg17: memref<10000xf32, #tpu.memory_space<vmem>>, %arg18: memref<10000xf32, #tpu.memory_space<vmem>>) attributes {dimension_semantics = [#tpu.dimension_semantics<core_parallel>, #tpu.dimension_semantics<subcore_parallel>], iteration_bounds = array<i64: 2, 16>, scalar_prefetch = 0 : i64, scratch_operands = 8 : i64, tpu.core_type = #tpu.core_type<sc_vector_subcore>, window_params = [{transform_indices = #map}, {transform_indices = #map}, {transform_indices = #map1}, {transform_indices = #map1}, {transform_indices = #map1}, {transform_indices = #map1}, {transform_indices = #map1}, {transform_indices = #map}, {transform_indices = #map}]} {
    %mul3A = arith.constant 2 : i32
    %mul3A_0 = arith.muli %arg1, %mul3A : i32
    %add3A = arith.addi %mul3A_0, %arg0 : i32
    %mul3A_1 = arith.constant 10000 : i32
    %mul3A_2 = arith.muli %add3A, %mul3A_1 : i32
    %scan3A = arith.constant 0 : i32
    %scan3A_3 = arith.constant 80 : i32
    %scan3A_4 = arith.addi %scan3A, %scan3A_3 : i32
    %scan3A_5 = arith.constant 1 : i32
    scf.for %scan3A_12 = %scan3A to %scan3A_4 step %scan3A_5  : i32 {
      %mul3A_13 = arith.constant 1 : i32
      %mul3A_14 = arith.muli %scan3A_12, %mul3A_13 : i32
      %add3A_15 = arith.constant 0 : i32
      %add3A_16 = arith.addi %add3A_15, %mul3A_14 : i32
      %broadcast_in_dim3A = arith.constant 0.000000e+00 : f32
      %broadcast_in_dim3A_17 = vector.broadcast %broadcast_in_dim3A : f32 to vector<16xf32>
      %swap3A = arith.index_cast %add3A_16 : i32 to index
      %swap3A_18 = arith.constant 0 : index
      %swap3A_19 = tpu.vector_load %arg15[%swap3A, %swap3A_18] {strides = array<i32>} : memref<80x16xf32, #tpu.memory_space<vmem>>, vector<16xf32>,
      tpu.vector_store %arg15[%swap3A, %swap3A_18], %broadcast_in_dim3A_17 {strides = array<i32>} : memref<80x16xf32, #tpu.memory_space<vmem>>, vector<16xf32>,
    }
    %scan3A_6 = arith.constant 80 : i32
    "tpu.region"() ({
      %run_scoped3A = tpu.sem_alloc : memref<!tpu.dma_semaphore, #tpu.memory_space<semaphore_mem>>
      tpu.enqueue_dma source(%arg6 : memref<10000xf32, #tpu.memory_space<hbm>>) target(%arg16 : memref<10000xf32, #tpu.memory_space<vmem>>) target_semaphore(%run_scoped3A : memref<!tpu.dma_semaphore, #tpu.memory_space<semaphore_mem>>)
      tpu.wait_dma2 semaphore(%run_scoped3A : memref<!tpu.dma_semaphore, #tpu.memory_space<semaphore_mem>>) src(%arg6 : memref<10000xf32, #tpu.memory_space<hbm>>) dst(%arg16 : memref<10000xf32, #tpu.memory_space<vmem>>)
      tpu.yield
    }) : () -> ()
    "tpu.region"() ({
      %run_scoped3A = tpu.sem_alloc : memref<!tpu.dma_semaphore, #tpu.memory_space<semaphore_mem>>
      tpu.enqueue_dma source(%arg7 : memref<10000xf32, #tpu.memory_space<hbm>>) target(%arg17 : memref<10000xf32, #tpu.memory_space<vmem>>) target_semaphore(%run_scoped3A : memref<!tpu.dma_semaphore, #tpu.memory_space<semaphore_mem>>)
      tpu.wait_dma2 semaphore(%run_scoped3A : memref<!tpu.dma_semaphore, #tpu.memory_space<semaphore_mem>>) src(%arg7 : memref<10000xf32, #tpu.memory_space<hbm>>) dst(%arg17 : memref<10000xf32, #tpu.memory_space<vmem>>)
      tpu.yield
    }) : () -> ()
    "tpu.region"() ({
      %run_scoped3A = tpu.sem_alloc : memref<!tpu.dma_semaphore, #tpu.memory_space<semaphore_mem>>
      tpu.enqueue_dma source(%arg8 : memref<10000xf32, #tpu.memory_space<hbm>>) target(%arg18 : memref<10000xf32, #tpu.memory_space<vmem>>) target_semaphore(%run_scoped3A : memref<!tpu.dma_semaphore, #tpu.memory_space<semaphore_mem>>)
      tpu.wait_dma2 semaphore(%run_scoped3A : memref<!tpu.dma_semaphore, #tpu.memory_space<semaphore_mem>>) src(%arg8 : memref<10000xf32, #tpu.memory_space<hbm>>) dst(%arg18 : memref<10000xf32, #tpu.memory_space<vmem>>)
      tpu.yield
    }) : () -> ()
    %scan3A_7 = arith.constant 0 : i32
    %scan3A_8 = arith.constant 125 : i32
    %scan3A_9 = arith.addi %scan3A_7, %scan3A_8 : i32
    %scan3A_10 = arith.constant 1 : i32
    scf.for %scan3A_12 = %scan3A_7 to %scan3A_9 step %scan3A_10  : i32 {
      %mul3A_13 = arith.constant 1 : i32
      %mul3A_14 = arith.muli %scan3A_12, %mul3A_13 : i32
      %add3A_15 = arith.constant 0 : i32
      %add3A_16 = arith.addi %add3A_15, %mul3A_14 : i32
      %mul3A_17 = arith.constant 80 : i32
      %mul3A_18 = arith.muli %add3A_16, %mul3A_17 : i32
      %add3A_19 = arith.addi %mul3A_2, %mul3A_18 : i32
      "tpu.region"() ({
        %run_scoped3A = tpu.sem_alloc : memref<!tpu.dma_semaphore, #tpu.memory_space<semaphore_mem>>
        %dma_start3A = tpu.memref_slice %arg4[%add3A_19] : memref<320000xi32, #tpu.memory_space<hbm>> -> memref<80xi32, #tpu.memory_space<hbm>>
        %dma_start3A_30 = tpu.memref_slice %arg4[%add3A_19] : memref<320000xi32, #tpu.memory_space<hbm>> -> memref<80xi32, #tpu.memory_space<hbm>>
        tpu.enqueue_dma source(%dma_start3A_30 : memref<80xi32, #tpu.memory_space<hbm>>) target(%arg13 : memref<80xi32, #tpu.memory_space<vmem>>) target_semaphore(%run_scoped3A : memref<!tpu.dma_semaphore, #tpu.memory_space<semaphore_mem>>)
        %dma_wait3A = tpu.memref_slice %arg4[%add3A_19] : memref<320000xi32, #tpu.memory_space<hbm>> -> memref<80xi32, #tpu.memory_space<hbm>>
        %dma_wait3A_31 = tpu.memref_slice %arg4[%add3A_19] : memref<320000xi32, #tpu.memory_space<hbm>> -> memref<80xi32, #tpu.memory_space<hbm>>
        tpu.wait_dma2 semaphore(%run_scoped3A : memref<!tpu.dma_semaphore, #tpu.memory_space<semaphore_mem>>) src(%dma_wait3A_31 : memref<80xi32, #tpu.memory_space<hbm>>) dst(%arg13 : memref<80xi32, #tpu.memory_space<vmem>>)
        tpu.yield
      }) : () -> ()
      "tpu.region"() ({
        %run_scoped3A = tpu.sem_alloc : memref<!tpu.dma_semaphore, #tpu.memory_space<semaphore_mem>>
        %dma_start3A = tpu.memref_slice %arg5[%add3A_19] : memref<320000xi32, #tpu.memory_space<hbm>> -> memref<80xi32, #tpu.memory_space<hbm>>
        %dma_start3A_30 = tpu.memref_slice %arg5[%add3A_19] : memref<320000xi32, #tpu.memory_space<hbm>> -> memref<80xi32, #tpu.memory_space<hbm>>
        tpu.enqueue_dma source(%dma_start3A_30 : memref<80xi32, #tpu.memory_space<hbm>>) target(%arg14 : memref<80xi32, #tpu.memory_space<vmem>>) target_semaphore(%run_scoped3A : memref<!tpu.dma_semaphore, #tpu.memory_space<semaphore_mem>>)
        %dma_wait3A = tpu.memref_slice %arg5[%add3A_19] : memref<320000xi32, #tpu.memory_space<hbm>> -> memref<80xi32, #tpu.memory_space<hbm>>
        %dma_wait3A_31 = tpu.memref_slice %arg5[%add3A_19] : memref<320000xi32, #tpu.memory_space<hbm>> -> memref<80xi32, #tpu.memory_space<hbm>>
        tpu.wait_dma2 semaphore(%run_scoped3A : memref<!tpu.dma_semaphore, #tpu.memory_space<semaphore_mem>>) src(%dma_wait3A_31 : memref<80xi32, #tpu.memory_space<hbm>>) dst(%arg14 : memref<80xi32, #tpu.memory_space<vmem>>)
        tpu.yield
      }) : () -> ()
      "tpu.region"() ({
        %run_scoped3A = tpu.sem_alloc : memref<!tpu.dma_semaphore, #tpu.memory_space<semaphore_mem>>
        %dma_start3A = arith.constant 0 : i32
        %dma_start3A_30 = arith.constant 0 : i32
        %dma_start3A_31 = tpu.memref_slice %arg2[%dma_start3A, %dma_start3A_30] : memref<10000x128xf32, #tpu.memory_space<hbm>> -> memref<10000x128xf32, #tpu.memory_space<hbm>>
        tpu.enqueue_indirect_dma source(%dma_start3A_31 : memref<10000x128xf32, #tpu.memory_space<hbm>>) target(%arg11 : memref<80x128xf32, #tpu.memory_space<vmem>>) offsets(%arg13 : memref<80xi32, #tpu.memory_space<vmem>>) semaphore(%run_scoped3A : memref<!tpu.dma_semaphore, #tpu.memory_space<semaphore_mem>>)
        %dma_wait3A = arith.constant 0 : i32
        %dma_wait3A_32 = arith.constant 0 : i32
        %dma_wait3A_33 = tpu.memref_slice %arg2[%dma_wait3A, %dma_wait3A_32] : memref<10000x128xf32, #tpu.memory_space<hbm>> -> memref<10000x128xf32, #tpu.memory_space<hbm>>
        tpu.wait_indirect_dma semaphore(%run_scoped3A : memref<!tpu.dma_semaphore, #tpu.memory_space<semaphore_mem>>) src(%dma_wait3A_33 : memref<10000x128xf32, #tpu.memory_space<hbm>>) dst(%arg11 : memref<80x128xf32, #tpu.memory_space<vmem>>)
        tpu.yield
      }) : () -> ()
      "tpu.region"() ({
        %run_scoped3A = tpu.sem_alloc : memref<!tpu.dma_semaphore, #tpu.memory_space<semaphore_mem>>
        %dma_start3A = arith.constant 0 : i32
        %dma_start3A_30 = arith.constant 0 : i32
        %dma_start3A_31 = tpu.memref_slice %arg3[%dma_start3A, %dma_start3A_30] : memref<10000x128xf32, #tpu.memory_space<hbm>> -> memref<10000x128xf32, #tpu.memory_space<hbm>>
        tpu.enqueue_indirect_dma source(%dma_start3A_31 : memref<10000x128xf32, #tpu.memory_space<hbm>>) target(%arg12 : memref<80x128xf32, #tpu.memory_space<vmem>>) offsets(%arg14 : memref<80xi32, #tpu.memory_space<vmem>>) semaphore(%run_scoped3A : memref<!tpu.dma_semaphore, #tpu.memory_space<semaphore_mem>>)
        %dma_wait3A = arith.constant 0 : i32
        %dma_wait3A_32 = arith.constant 0 : i32
        %dma_wait3A_33 = tpu.memref_slice %arg3[%dma_wait3A, %dma_wait3A_32] : memref<10000x128xf32, #tpu.memory_space<hbm>> -> memref<10000x128xf32, #tpu.memory_space<hbm>>
        tpu.wait_indirect_dma semaphore(%run_scoped3A : memref<!tpu.dma_semaphore, #tpu.memory_space<semaphore_mem>>) src(%dma_wait3A_33 : memref<10000x128xf32, #tpu.memory_space<hbm>>) dst(%arg12 : memref<80x128xf32, #tpu.memory_space<vmem>>)
        tpu.yield
      }) : () -> ()
      %scan3A_20 = arith.constant 0 : i32
      %scan3A_21 = arith.constant 80 : i32
      %scan3A_22 = arith.addi %scan3A_20, %scan3A_21 : i32
      %scan3A_23 = arith.constant 1 : i32
      scf.for %scan3A_30 = %scan3A_20 to %scan3A_22 step %scan3A_23  : i32 {
        %mul3A_31 = arith.constant 1 : i32
        %mul3A_32 = arith.muli %scan3A_30, %mul3A_31 : i32
        %add3A_33 = arith.constant 0 : i32
        %add3A_34 = arith.addi %add3A_33, %mul3A_32 : i32
        %get3A = arith.index_cast %add3A_34 : i32 to index
        %get3A_35 = arith.constant 0 : index
        %get3A_36 = tpu.vector_load %arg12[%get3A, %get3A_35] {strides = array<i32>} : memref<80x128xf32, #tpu.memory_space<vmem>>, vector<16xf32>,
        %swap3A = arith.index_cast %add3A_34 : i32 to index
        %swap3A_37 = arith.constant 0 : index
        %swap3A_38 = tpu.vector_load %arg11[%swap3A, %swap3A_37] {strides = array<i32>} : memref<80x128xf32, #tpu.memory_space<vmem>>, vector<16xf32>,
        tpu.vector_store %arg11[%swap3A, %swap3A_37], %get3A_36 {add = true, strides = array<i32>} : memref<80x128xf32, #tpu.memory_space<vmem>>, vector<16xf32>,
        %get3A_39 = arith.index_cast %add3A_34 : i32 to index
        %get3A_40 = arith.constant 16 : index
        %get3A_41 = tpu.vector_load %arg12[%get3A_39, %get3A_40] {strides = array<i32>} : memref<80x128xf32, #tpu.memory_space<vmem>>, vector<16xf32>,
        %swap3A_42 = arith.index_cast %add3A_34 : i32 to index
        %swap3A_43 = arith.constant 16 : index
        %swap3A_44 = tpu.vector_load %arg11[%swap3A_42, %swap3A_43] {strides = array<i32>} : memref<80x128xf32, #tpu.memory_space<vmem>>, vector<16xf32>,
        tpu.vector_store %arg11[%swap3A_42, %swap3A_43], %get3A_41 {add = true, strides = array<i32>} : memref<80x128xf32, #tpu.memory_space<vmem>>, vector<16xf32>,
        %get3A_45 = arith.index_cast %add3A_34 : i32 to index
        %get3A_46 = arith.constant 32 : index
        %get3A_47 = tpu.vector_load %arg12[%get3A_45, %get3A_46] {strides = array<i32>} : memref<80x128xf32, #tpu.memory_space<vmem>>, vector<16xf32>,
        %swap3A_48 = arith.index_cast %add3A_34 : i32 to index
        %swap3A_49 = arith.constant 32 : index
        %swap3A_50 = tpu.vector_load %arg11[%swap3A_48, %swap3A_49] {strides = array<i32>} : memref<80x128xf32, #tpu.memory_space<vmem>>, vector<16xf32>,
        tpu.vector_store %arg11[%swap3A_48, %swap3A_49], %get3A_47 {add = true, strides = array<i32>} : memref<80x128xf32, #tpu.memory_space<vmem>>, vector<16xf32>,
        %get3A_51 = arith.index_cast %add3A_34 : i32 to index
        %get3A_52 = arith.constant 48 : index
        %get3A_53 = tpu.vector_load %arg12[%get3A_51, %get3A_52] {strides = array<i32>} : memref<80x128xf32, #tpu.memory_space<vmem>>, vector<16xf32>,
        %swap3A_54 = arith.index_cast %add3A_34 : i32 to index
        %swap3A_55 = arith.constant 48 : index
        %swap3A_56 = tpu.vector_load %arg11[%swap3A_54, %swap3A_55] {strides = array<i32>} : memref<80x128xf32, #tpu.memory_space<vmem>>, vector<16xf32>,
        tpu.vector_store %arg11[%swap3A_54, %swap3A_55], %get3A_53 {add = true, strides = array<i32>} : memref<80x128xf32, #tpu.memory_space<vmem>>, vector<16xf32>,
        %get3A_57 = arith.index_cast %add3A_34 : i32 to index
        %get3A_58 = arith.constant 64 : index
        %get3A_59 = tpu.vector_load %arg12[%get3A_57, %get3A_58] {strides = array<i32>} : memref<80x128xf32, #tpu.memory_space<vmem>>, vector<16xf32>,
        %swap3A_60 = arith.index_cast %add3A_34 : i32 to index
        %swap3A_61 = arith.constant 64 : index
        %swap3A_62 = tpu.vector_load %arg11[%swap3A_60, %swap3A_61] {strides = array<i32>} : memref<80x128xf32, #tpu.memory_space<vmem>>, vector<16xf32>,
        tpu.vector_store %arg11[%swap3A_60, %swap3A_61], %get3A_59 {add = true, strides = array<i32>} : memref<80x128xf32, #tpu.memory_space<vmem>>, vector<16xf32>,
        %get3A_63 = arith.index_cast %add3A_34 : i32 to index
        %get3A_64 = arith.constant 80 : index
        %get3A_65 = tpu.vector_load %arg12[%get3A_63, %get3A_64] {strides = array<i32>} : memref<80x128xf32, #tpu.memory_space<vmem>>, vector<16xf32>,
        %swap3A_66 = arith.index_cast %add3A_34 : i32 to index
        %swap3A_67 = arith.constant 80 : index
        %swap3A_68 = tpu.vector_load %arg11[%swap3A_66, %swap3A_67] {strides = array<i32>} : memref<80x128xf32, #tpu.memory_space<vmem>>, vector<16xf32>,
        tpu.vector_store %arg11[%swap3A_66, %swap3A_67], %get3A_65 {add = true, strides = array<i32>} : memref<80x128xf32, #tpu.memory_space<vmem>>, vector<16xf32>,
        %get3A_69 = arith.index_cast %add3A_34 : i32 to index
        %get3A_70 = arith.constant 96 : index
        %get3A_71 = tpu.vector_load %arg12[%get3A_69, %get3A_70] {strides = array<i32>} : memref<80x128xf32, #tpu.memory_space<vmem>>, vector<16xf32>,
        %swap3A_72 = arith.index_cast %add3A_34 : i32 to index
        %swap3A_73 = arith.constant 96 : index
        %swap3A_74 = tpu.vector_load %arg11[%swap3A_72, %swap3A_73] {strides = array<i32>} : memref<80x128xf32, #tpu.memory_space<vmem>>, vector<16xf32>,
        tpu.vector_store %arg11[%swap3A_72, %swap3A_73], %get3A_71 {add = true, strides = array<i32>} : memref<80x128xf32, #tpu.memory_space<vmem>>, vector<16xf32>,
        %get3A_75 = arith.index_cast %add3A_34 : i32 to index
        %get3A_76 = arith.constant 112 : index
        %get3A_77 = tpu.vector_load %arg12[%get3A_75, %get3A_76] {strides = array<i32>} : memref<80x128xf32, #tpu.memory_space<vmem>>, vector<16xf32>,
        %swap3A_78 = arith.index_cast %add3A_34 : i32 to index
        %swap3A_79 = arith.constant 112 : index
        %swap3A_80 = tpu.vector_load %arg11[%swap3A_78, %swap3A_79] {strides = array<i32>} : memref<80x128xf32, #tpu.memory_space<vmem>>, vector<16xf32>,
        tpu.vector_store %arg11[%swap3A_78, %swap3A_79], %get3A_77 {add = true, strides = array<i32>} : memref<80x128xf32, #tpu.memory_space<vmem>>, vector<16xf32>,
      }
      %scan3A_24 = arith.constant 80 : i32
      %scan3A_25 = arith.constant 0 : i32
      %scan3A_26 = arith.constant 5 : i32
      %scan3A_27 = arith.addi %scan3A_25, %scan3A_26 : i32
      %scan3A_28 = arith.constant 1 : i32
      scf.for %scan3A_30 = %scan3A_25 to %scan3A_27 step %scan3A_28  : i32 {
        %mul3A_31 = arith.constant 1 : i32
        %mul3A_32 = arith.muli %scan3A_30, %mul3A_31 : i32
        %add3A_33 = arith.constant 0 : i32
        %add3A_34 = arith.addi %add3A_33, %mul3A_32 : i32
        %mul3A_35 = arith.constant 16 : i32
        %mul3A_36 = arith.muli %add3A_34, %mul3A_35 : i32
        %get3A = arith.index_cast %mul3A_36 : i32 to index
        %get3A_37 = tpu.vector_load %arg13[%get3A] {strides = array<i32>} : memref<80xi32, #tpu.memory_space<vmem>>, vector<16xi32>,
        %get3A_38 = arith.index_cast %mul3A_36 : i32 to index
        %get3A_39 = tpu.vector_load %arg14[%get3A_38] {strides = array<i32>} : memref<80xi32, #tpu.memory_space<vmem>>, vector<16xi32>,
        %mul3A_40 = arith.constant 16 : i32
        %mul3A_41 = arith.muli %add3A_34, %mul3A_40 : i32
        %iota3A = tpu.iota {dimensions = array<i32: 0>} : vector<16xi32>
        %add3A_42 = vector.broadcast %mul3A_41 : i32 to vector<16xi32>
        %add3A_43 = arith.addi %add3A_42, %iota3A : vector<16xi32>
        %gather3A = tpu.vector_load_idx %arg16[%get3A_37] : memref<10000xf32, #tpu.memory_space<vmem>>[vector<16xi32>], vector<16xf32>,
        %gather3A_44 = tpu.vector_load_idx %arg16[%get3A_39] : memref<10000xf32, #tpu.memory_space<vmem>>[vector<16xi32>], vector<16xf32>,
        %sub3A = arith.subf %gather3A, %gather3A_44 : vector<16xf32>
        %gather3A_45 = tpu.vector_load_idx %arg17[%get3A_37] : memref<10000xf32, #tpu.memory_space<vmem>>[vector<16xi32>], vector<16xf32>,
        %gather3A_46 = tpu.vector_load_idx %arg17[%get3A_39] : memref<10000xf32, #tpu.memory_space<vmem>>[vector<16xi32>], vector<16xf32>,
        %sub3A_47 = arith.subf %gather3A_45, %gather3A_46 : vector<16xf32>
        %gather3A_48 = tpu.vector_load_idx %arg18[%get3A_37] : memref<10000xf32, #tpu.memory_space<vmem>>[vector<16xi32>], vector<16xf32>,
        %gather3A_49 = tpu.vector_load_idx %arg18[%get3A_39] : memref<10000xf32, #tpu.memory_space<vmem>>[vector<16xi32>], vector<16xf32>,
        %sub3A_50 = arith.subf %gather3A_48, %gather3A_49 : vector<16xf32>
        %mul3A_51 = arith.mulf %sub3A, %sub3A : vector<16xf32>
        %mul3A_52 = arith.mulf %sub3A_47, %sub3A_47 : vector<16xf32>
        %add3A_53 = arith.addf %mul3A_51, %mul3A_52 : vector<16xf32>
        %mul3A_54 = arith.mulf %sub3A_50, %sub3A_50 : vector<16xf32>
        %add3A_55 = arith.addf %add3A_53, %mul3A_54 : vector<16xf32>
        %broadcast_in_dim3A = arith.constant 0 : i32
        %broadcast_in_dim3A_56 = vector.broadcast %broadcast_in_dim3A : i32 to vector<16xi32>
        tpu.vector_store_idx %arg15[%add3A_43, %broadcast_in_dim3A_56], %sub3A : memref<80x16xf32, #tpu.memory_space<vmem>>[vector<16xi32>, vector<16xi32>], vector<16xf32>,
        %broadcast_in_dim3A_57 = arith.constant 1 : i32
        %broadcast_in_dim3A_58 = vector.broadcast %broadcast_in_dim3A_57 : i32 to vector<16xi32>
        tpu.vector_store_idx %arg15[%add3A_43, %broadcast_in_dim3A_58], %sub3A_47 : memref<80x16xf32, #tpu.memory_space<vmem>>[vector<16xi32>, vector<16xi32>], vector<16xf32>,
        %broadcast_in_dim3A_59 = arith.constant 2 : i32
        %broadcast_in_dim3A_60 = vector.broadcast %broadcast_in_dim3A_59 : i32 to vector<16xi32>
        tpu.vector_store_idx %arg15[%add3A_43, %broadcast_in_dim3A_60], %sub3A_50 : memref<80x16xf32, #tpu.memory_space<vmem>>[vector<16xi32>, vector<16xi32>], vector<16xf32>,
        %broadcast_in_dim3A_61 = arith.constant 3 : i32
        %broadcast_in_dim3A_62 = vector.broadcast %broadcast_in_dim3A_61 : i32 to vector<16xi32>
        tpu.vector_store_idx %arg15[%add3A_43, %broadcast_in_dim3A_62], %add3A_55 : memref<80x16xf32, #tpu.memory_space<vmem>>[vector<16xi32>, vector<16xi32>], vector<16xf32>,
      }
      %scan3A_29 = arith.constant 5 : i32
      "tpu.region"() ({
        %run_scoped3A = tpu.sem_alloc : memref<!tpu.dma_semaphore, #tpu.memory_space<semaphore_mem>>
        %dma_start3A = arith.constant 0 : i32
        %dma_start3A_30 = tpu.memref_slice %arg9[%add3A_19, %dma_start3A] : memref<320000x128xf32, #tpu.memory_space<hbm>> -> memref<80x128xf32, #tpu.memory_space<hbm>>
        %dma_start3A_31 = arith.constant 0 : i32
        %dma_start3A_32 = tpu.memref_slice %arg9[%add3A_19, %dma_start3A_31] : memref<320000x128xf32, #tpu.memory_space<hbm>> -> memref<80x128xf32, #tpu.memory_space<hbm>>
        tpu.enqueue_dma source(%arg11 : memref<80x128xf32, #tpu.memory_space<vmem>>) target(%dma_start3A_32 : memref<80x128xf32, #tpu.memory_space<hbm>>) target_semaphore(%run_scoped3A : memref<!tpu.dma_semaphore, #tpu.memory_space<semaphore_mem>>)
        %dma_wait3A = arith.constant 0 : i32
        %dma_wait3A_33 = tpu.memref_slice %arg9[%add3A_19, %dma_wait3A] : memref<320000x128xf32, #tpu.memory_space<hbm>> -> memref<80x128xf32, #tpu.memory_space<hbm>>
        %dma_wait3A_34 = arith.constant 0 : i32
        %dma_wait3A_35 = tpu.memref_slice %arg9[%add3A_19, %dma_wait3A_34] : memref<320000x128xf32, #tpu.memory_space<hbm>> -> memref<80x128xf32, #tpu.memory_space<hbm>>
        tpu.wait_dma2 semaphore(%run_scoped3A : memref<!tpu.dma_semaphore, #tpu.memory_space<semaphore_mem>>) src(%arg11 : memref<80x128xf32, #tpu.memory_space<vmem>>) dst(%dma_wait3A_35 : memref<80x128xf32, #tpu.memory_space<hbm>>)
        tpu.yield
      }) : () -> ()
      "tpu.region"() ({
        %run_scoped3A = tpu.sem_alloc : memref<!tpu.dma_semaphore, #tpu.memory_space<semaphore_mem>>
        %dma_start3A = arith.constant 0 : i32
        %dma_start3A_30 = tpu.memref_slice %arg10[%add3A_19, %dma_start3A] : memref<320000x16xf32, #tpu.memory_space<hbm>> -> memref<80x16xf32, #tpu.memory_space<hbm>>
        %dma_start3A_31 = arith.constant 0 : i32
        %dma_start3A_32 = tpu.memref_slice %arg10[%add3A_19, %dma_start3A_31] : memref<320000x16xf32, #tpu.memory_space<hbm>> -> memref<80x16xf32, #tpu.memory_space<hbm>>
        tpu.enqueue_dma source(%arg15 : memref<80x16xf32, #tpu.memory_space<vmem>>) target(%dma_start3A_32 : memref<80x16xf32, #tpu.memory_space<hbm>>) target_semaphore(%run_scoped3A : memref<!tpu.dma_semaphore, #tpu.memory_space<semaphore_mem>>)
        %dma_wait3A = arith.constant 0 : i32
        %dma_wait3A_33 = tpu.memref_slice %arg10[%add3A_19, %dma_wait3A] : memref<320000x16xf32, #tpu.memory_space<hbm>> -> memref<80x16xf32, #tpu.memory_space<hbm>>
        %dma_wait3A_34 = arith.constant 0 : i32
        %dma_wait3A_35 = tpu.memref_slice %arg10[%add3A_19, %dma_wait3A_34] : memref<320000x16xf32, #tpu.memory_space<hbm>> -> memref<80x16xf32, #tpu.memory_space<hbm>>
        tpu.wait_dma2 semaphore(%run_scoped3A : memref<!tpu.dma_semaphore, #tpu.memory_space<semaphore_mem>>) src(%arg15 : memref<80x16xf32, #tpu.memory_space<vmem>>) dst(%dma_wait3A_35 : memref<80x16xf32, #tpu.memory_space<hbm>>)
        tpu.yield
      }) : () -> ()
    }
    %scan3A_11 = arith.constant 125 : i32
    return
  }
}

module attributes {stable_mosaic.version = 14 : i64} {
  func.func @_tca_body(%arg0: i32, %arg1: memref<1000x128xf32, #tpu.memory_space<vmem>>, %arg2: memref<128x128xf32, #tpu.memory_space<vmem>>, %arg3: memref<128x128xf32, #tpu.memory_space<vmem>>, %arg4: memref<1x16xf32, #tpu.memory_space<vmem>>, %arg5: memref<16x128xf32, #tpu.memory_space<vmem>>, %arg6: memref<1x128xf32, #tpu.memory_space<vmem>>, %arg7: memref<1000x128xf32, #tpu.memory_space<vmem>>, %arg8: memref<1000x128xf32, #tpu.memory_space<vmem>>) attributes {dimension_semantics = [#tpu.dimension_semantics<arbitrary>], iteration_bounds = array<i64: 10>, scalar_prefetch = 0 : i64, scratch_operands = 0 : i64, tpu.core_type = #tpu.core_type<tc>, window_params = [{transform_indices = @transform_0, window_bounds = array<i64: 1000, 128>}, {pipeline_mode = #tpu.pipeline_mode<synchronous>, transform_indices = @transform_1, window_bounds = array<i64: 128, 128>}, {pipeline_mode = #tpu.pipeline_mode<synchronous>, transform_indices = @transform_2, window_bounds = array<i64: 128, 128>}, {pipeline_mode = #tpu.pipeline_mode<synchronous>, transform_indices = @transform_3, window_bounds = array<i64: 1, 16>}, {pipeline_mode = #tpu.pipeline_mode<synchronous>, transform_indices = @transform_4, window_bounds = array<i64: 16, 128>}, {pipeline_mode = #tpu.pipeline_mode<synchronous>, transform_indices = @transform_5, window_bounds = array<i64: 1, 128>}, {transform_indices = @transform_6, window_bounds = array<i64: 1000, 128>}, {transform_indices = @transform_7, window_bounds = array<i64: 1000, 128>}]} {
    %get3A = arith.constant 0 : index
    %get3A_0 = arith.constant 0 : index
    %get3A_1 = vector.load %arg4[%get3A, %get3A_0] : memref<1x16xf32, #tpu.memory_space<vmem>>, vector<1x16xf32>
    %get3A_2 = arith.constant 0 : index
    %get3A_3 = arith.constant 0 : index
    %get3A_4 = vector.load %arg5[%get3A_2, %get3A_3] : memref<16x128xf32, #tpu.memory_space<vmem>>, vector<16x128xf32>
    %dot_general3A = arith.constant dense<0.000000e+00> : vector<1x128xf32>
    %dot_general3A_5 = tpu.matmul %get3A_1, %get3A_4, %dot_general3A {dimension_numbers = #tpu.dot_dimension_numbers<[1], [0], [0], [1], [0, 0, 1, 1], [], []>, transpose_lhs_hint = false} : vector<1x16xf32>, vector<16x128xf32>, vector<1x128xf32> -> vector<1x128xf32>
    %get3A_6 = arith.constant 0 : index
    %get3A_7 = arith.constant 0 : index
    %get3A_8 = vector.load %arg6[%get3A_6, %get3A_7] : memref<1x128xf32, #tpu.memory_space<vmem>>, vector<1x128xf32>
    %add3A = arith.addf %dot_general3A_5, %get3A_8 : vector<1x128xf32>
    %get3A_9 = arith.constant 0 : index
    %get3A_10 = arith.constant 0 : index
    %get3A_11 = vector.load %arg1[%get3A_9, %get3A_10] : memref<1000x128xf32, #tpu.memory_space<vmem>>, vector<1000x128xf32>
    %get3A_12 = arith.constant 0 : index
    %get3A_13 = arith.constant 0 : index
    %get3A_14 = vector.load %arg2[%get3A_12, %get3A_13] : memref<128x128xf32, #tpu.memory_space<vmem>>, vector<128x128xf32>
    %dot_general3A_15 = arith.constant dense<0.000000e+00> : vector<1000x128xf32>
    %dot_general3A_16 = tpu.matmul %get3A_11, %get3A_14, %dot_general3A_15 {dimension_numbers = #tpu.dot_dimension_numbers<[1], [0], [0], [1], [0, 0, 1, 1], [], []>, transpose_lhs_hint = false} : vector<1000x128xf32>, vector<128x128xf32>, vector<1000x128xf32> -> vector<1000x128xf32>
    %add3A_17 = vector.broadcast %add3A : vector<1x128xf32> to vector<1000x128xf32>
    %add3A_18 = arith.addf %dot_general3A_16, %add3A_17 : vector<1000x128xf32>
    %swap3A = arith.constant 0 : index
    %swap3A_19 = arith.constant 0 : index
    %swap3A_20 = vector.load %arg7[%swap3A, %swap3A_19] : memref<1000x128xf32, #tpu.memory_space<vmem>>, vector<1000x128xf32>
    tpu.vector_store %arg7[%swap3A, %swap3A_19], %add3A_18 {strides = array<i32>} : memref<1000x128xf32, #tpu.memory_space<vmem>>, vector<1000x128xf32>,
    %get3A_21 = arith.constant 0 : index
    %get3A_22 = arith.constant 0 : index
    %get3A_23 = vector.load %arg3[%get3A_21, %get3A_22] : memref<128x128xf32, #tpu.memory_space<vmem>>, vector<128x128xf32>
    %dot_general3A_24 = arith.constant dense<0.000000e+00> : vector<1000x128xf32>
    %dot_general3A_25 = tpu.matmul %get3A_11, %get3A_23, %dot_general3A_24 {dimension_numbers = #tpu.dot_dimension_numbers<[1], [0], [0], [1], [0, 0, 1, 1], [], []>, transpose_lhs_hint = false} : vector<1000x128xf32>, vector<128x128xf32>, vector<1000x128xf32> -> vector<1000x128xf32>
    %swap3A_26 = arith.constant 0 : index
    %swap3A_27 = arith.constant 0 : index
    %swap3A_28 = vector.load %arg8[%swap3A_26, %swap3A_27] : memref<1000x128xf32, #tpu.memory_space<vmem>>, vector<1000x128xf32>
    tpu.vector_store %arg8[%swap3A_26, %swap3A_27], %dot_general3A_25 {strides = array<i32>} : memref<1000x128xf32, #tpu.memory_space<vmem>>, vector<1000x128xf32>,
    return
  }
  func.func @transform_0(%arg0: i32) -> (i32, i32) {
    %c0_i32 = arith.constant 0 : i32
    %c0_i32_0 = arith.constant 0 : i32
    return %arg0, %c0_i32 : i32, i32
  }
  func.func @transform_1(%arg0: i32) -> (i32, i32) {
    %c0_i32 = arith.constant 0 : i32
    %c0_i32_0 = arith.constant 0 : i32
    %c0_i32_1 = arith.constant 0 : i32
    return %c0_i32, %c0_i32_0 : i32, i32
  }
  func.func @transform_2(%arg0: i32) -> (i32, i32) {
    %c0_i32 = arith.constant 0 : i32
    %c0_i32_0 = arith.constant 0 : i32
    %c0_i32_1 = arith.constant 0 : i32
    return %c0_i32, %c0_i32_0 : i32, i32
  }
  func.func @transform_3(%arg0: i32) -> (i32, i32) {
    %c0_i32 = arith.constant 0 : i32
    %c0_i32_0 = arith.constant 0 : i32
    %c0_i32_1 = arith.constant 0 : i32
    return %c0_i32, %c0_i32_0 : i32, i32
  }
  func.func @transform_4(%arg0: i32) -> (i32, i32) {
    %c0_i32 = arith.constant 0 : i32
    %c0_i32_0 = arith.constant 0 : i32
    %c0_i32_1 = arith.constant 0 : i32
    return %c0_i32, %c0_i32_0 : i32, i32
  }
  func.func @transform_5(%arg0: i32) -> (i32, i32) {
    %c0_i32 = arith.constant 0 : i32
    %c0_i32_0 = arith.constant 0 : i32
    %c0_i32_1 = arith.constant 0 : i32
    return %c0_i32, %c0_i32_0 : i32, i32
  }
  func.func @transform_6(%arg0: i32) -> (i32, i32) {
    %c0_i32 = arith.constant 0 : i32
    %c0_i32_0 = arith.constant 0 : i32
    return %arg0, %c0_i32 : i32, i32
  }
  func.func @transform_7(%arg0: i32) -> (i32, i32) {
    %c0_i32 = arith.constant 0 : i32
    %c0_i32_0 = arith.constant 0 : i32
    return %arg0, %c0_i32 : i32, i32
  }
}

module attributes {stable_mosaic.version = 14 : i64} {
  func.func @_tc2_body(%arg0: i32, %arg1: memref<512x128xf32, #tpu.memory_space<vmem>>, %arg2: memref<512x16xf32, #tpu.memory_space<vmem>>, %arg3: memref<512x16xf32, #tpu.memory_space<vmem>>, %arg4: memref<1x128xf32, #tpu.memory_space<vmem>>, %arg5: memref<16x128xf32, #tpu.memory_space<vmem>>, %arg6: memref<128x128xf32, #tpu.memory_space<vmem>>, %arg7: memref<1x128xf32, #tpu.memory_space<vmem>>, %arg8: memref<128x128xf32, #tpu.memory_space<vmem>>, %arg9: memref<1x128xf32, #tpu.memory_space<vmem>>, %arg10: memref<128x1xf32, #tpu.memory_space<vmem>>, %arg11: memref<512x128xf32, #tpu.memory_space<vmem>>, %arg12: memref<512x1xf32, #tpu.memory_space<vmem>>) attributes {dimension_semantics = [#tpu.dimension_semantics<arbitrary>], iteration_bounds = array<i64: 625>, scalar_prefetch = 0 : i64, scratch_operands = 0 : i64, tpu.core_type = #tpu.core_type<tc>, window_params = [{transform_indices = @transform_0, window_bounds = array<i64: 512, 128>}, {transform_indices = @transform_1, window_bounds = array<i64: 512, 16>}, {transform_indices = @transform_2, window_bounds = array<i64: 512, 16>}, {pipeline_mode = #tpu.pipeline_mode<synchronous>, transform_indices = @transform_3, window_bounds = array<i64: 1, 128>}, {pipeline_mode = #tpu.pipeline_mode<synchronous>, transform_indices = @transform_4, window_bounds = array<i64: 16, 128>}, {pipeline_mode = #tpu.pipeline_mode<synchronous>, transform_indices = @transform_5, window_bounds = array<i64: 128, 128>}, {pipeline_mode = #tpu.pipeline_mode<synchronous>, transform_indices = @transform_6, window_bounds = array<i64: 1, 128>}, {pipeline_mode = #tpu.pipeline_mode<synchronous>, transform_indices = @transform_7, window_bounds = array<i64: 128, 128>}, {pipeline_mode = #tpu.pipeline_mode<synchronous>, transform_indices = @transform_8, window_bounds = array<i64: 1, 128>}, {pipeline_mode = #tpu.pipeline_mode<synchronous>, transform_indices = @transform_9, window_bounds = array<i64: 128, 1>}, {transform_indices = @transform_10, window_bounds = array<i64: 512, 128>}, {transform_indices = @transform_11, window_bounds = array<i64: 512, 1>}]} {
    %get3A = arith.constant 0 : index
    %get3A_0 = arith.constant 0 : index
    %get3A_1 = vector.load %arg2[%get3A, %get3A_0] : memref<512x16xf32, #tpu.memory_space<vmem>>, vector<512x16xf32>
    %slice3A = vector.extract_strided_slice %get3A_1 {offsets = [0, 3], sizes = [512, 1], strides = [1, 1]} : vector<512x16xf32> to vector<512x1xf32>
    %get3A_2 = arith.constant 0 : index
    %get3A_3 = arith.constant 0 : index
    %get3A_4 = vector.load %arg1[%get3A_2, %get3A_3] : memref<512x128xf32, #tpu.memory_space<vmem>>, vector<512x128xf32>
    %get3A_5 = arith.constant 0 : index
    %get3A_6 = arith.constant 0 : index
    %get3A_7 = vector.load %arg4[%get3A_5, %get3A_6] : memref<1x128xf32, #tpu.memory_space<vmem>>, vector<1x128xf32>
    %mul3A = vector.broadcast %slice3A : vector<512x1xf32> to vector<512x128xf32>
    %mul3A_8 = vector.broadcast %get3A_7 : vector<1x128xf32> to vector<512x128xf32>
    %mul3A_9 = arith.mulf %mul3A, %mul3A_8 : vector<512x128xf32>
    %add3A = arith.addf %get3A_4, %mul3A_9 : vector<512x128xf32>
    %get3A_10 = arith.constant 0 : index
    %get3A_11 = arith.constant 0 : index
    %get3A_12 = vector.load %arg3[%get3A_10, %get3A_11] : memref<512x16xf32, #tpu.memory_space<vmem>>, vector<512x16xf32>
    %get3A_13 = arith.constant 0 : index
    %get3A_14 = arith.constant 0 : index
    %get3A_15 = vector.load %arg5[%get3A_13, %get3A_14] : memref<16x128xf32, #tpu.memory_space<vmem>>, vector<16x128xf32>
    %dot_general3A = arith.constant dense<0.000000e+00> : vector<512x128xf32>
    %dot_general3A_16 = tpu.matmul %get3A_12, %get3A_15, %dot_general3A {dimension_numbers = #tpu.dot_dimension_numbers<[1], [0], [0], [1], [0, 0, 1, 1], [], []>, transpose_lhs_hint = false} : vector<512x16xf32>, vector<16x128xf32>, vector<512x128xf32> -> vector<512x128xf32>
    %add3A_17 = arith.addf %add3A, %dot_general3A_16 : vector<512x128xf32>
    %logistic3A = arith.negf %add3A_17 : vector<512x128xf32>
    %logistic3A_18 = math.exp %logistic3A : vector<512x128xf32>
    %logistic3A_19 = arith.constant 1.000000e+00 : f32
    %logistic3A_20 = vector.broadcast %logistic3A_19 : f32 to vector<512x128xf32>
    %logistic3A_21 = arith.addf %logistic3A_20, %logistic3A_18 : vector<512x128xf32>
    %logistic3A_22 = arith.divf %logistic3A_20, %logistic3A_21 : vector<512x128xf32>
    %mul3A_23 = arith.mulf %add3A_17, %logistic3A_22 : vector<512x128xf32>
    %get3A_24 = arith.constant 0 : index
    %get3A_25 = arith.constant 0 : index
    %get3A_26 = vector.load %arg6[%get3A_24, %get3A_25] : memref<128x128xf32, #tpu.memory_space<vmem>>, vector<128x128xf32>
    %dot_general3A_27 = arith.constant dense<0.000000e+00> : vector<512x128xf32>
    %dot_general3A_28 = tpu.matmul %mul3A_23, %get3A_26, %dot_general3A_27 {dimension_numbers = #tpu.dot_dimension_numbers<[1], [0], [0], [1], [0, 0, 1, 1], [], []>, transpose_lhs_hint = false} : vector<512x128xf32>, vector<128x128xf32>, vector<512x128xf32> -> vector<512x128xf32>
    %get3A_29 = arith.constant 0 : index
    %get3A_30 = arith.constant 0 : index
    %get3A_31 = vector.load %arg7[%get3A_29, %get3A_30] : memref<1x128xf32, #tpu.memory_space<vmem>>, vector<1x128xf32>
    %add3A_32 = vector.broadcast %get3A_31 : vector<1x128xf32> to vector<512x128xf32>
    %add3A_33 = arith.addf %dot_general3A_28, %add3A_32 : vector<512x128xf32>
    %logistic3A_34 = arith.negf %add3A_33 : vector<512x128xf32>
    %logistic3A_35 = math.exp %logistic3A_34 : vector<512x128xf32>
    %logistic3A_36 = arith.constant 1.000000e+00 : f32
    %logistic3A_37 = vector.broadcast %logistic3A_36 : f32 to vector<512x128xf32>
    %logistic3A_38 = arith.addf %logistic3A_37, %logistic3A_35 : vector<512x128xf32>
    %logistic3A_39 = arith.divf %logistic3A_37, %logistic3A_38 : vector<512x128xf32>
    %mul3A_40 = arith.mulf %add3A_33, %logistic3A_39 : vector<512x128xf32>
    %swap3A = arith.constant 0 : index
    %swap3A_41 = arith.constant 0 : index
    %swap3A_42 = vector.load %arg11[%swap3A, %swap3A_41] : memref<512x128xf32, #tpu.memory_space<vmem>>, vector<512x128xf32>
    tpu.vector_store %arg11[%swap3A, %swap3A_41], %mul3A_40 {strides = array<i32>} : memref<512x128xf32, #tpu.memory_space<vmem>>, vector<512x128xf32>,
    %get3A_43 = arith.constant 0 : index
    %get3A_44 = arith.constant 0 : index
    %get3A_45 = vector.load %arg8[%get3A_43, %get3A_44] : memref<128x128xf32, #tpu.memory_space<vmem>>, vector<128x128xf32>
    %dot_general3A_46 = arith.constant dense<0.000000e+00> : vector<512x128xf32>
    %dot_general3A_47 = tpu.matmul %mul3A_40, %get3A_45, %dot_general3A_46 {dimension_numbers = #tpu.dot_dimension_numbers<[1], [0], [0], [1], [0, 0, 1, 1], [], []>, transpose_lhs_hint = false} : vector<512x128xf32>, vector<128x128xf32>, vector<512x128xf32> -> vector<512x128xf32>
    %get3A_48 = arith.constant 0 : index
    %get3A_49 = arith.constant 0 : index
    %get3A_50 = vector.load %arg9[%get3A_48, %get3A_49] : memref<1x128xf32, #tpu.memory_space<vmem>>, vector<1x128xf32>
    %add3A_51 = vector.broadcast %get3A_50 : vector<1x128xf32> to vector<512x128xf32>
    %add3A_52 = arith.addf %dot_general3A_47, %add3A_51 : vector<512x128xf32>
    %logistic3A_53 = arith.negf %add3A_52 : vector<512x128xf32>
    %logistic3A_54 = math.exp %logistic3A_53 : vector<512x128xf32>
    %logistic3A_55 = arith.constant 1.000000e+00 : f32
    %logistic3A_56 = vector.broadcast %logistic3A_55 : f32 to vector<512x128xf32>
    %logistic3A_57 = arith.addf %logistic3A_56, %logistic3A_54 : vector<512x128xf32>
    %logistic3A_58 = arith.divf %logistic3A_56, %logistic3A_57 : vector<512x128xf32>
    %mul3A_59 = arith.mulf %add3A_52, %logistic3A_58 : vector<512x128xf32>
    %get3A_60 = arith.constant 0 : index
    %get3A_61 = arith.constant 0 : index
    %get3A_62 = vector.load %arg10[%get3A_60, %get3A_61] : memref<128x1xf32, #tpu.memory_space<vmem>>, vector<128x1xf32>
    %dot_general3A_63 = arith.constant dense<0.000000e+00> : vector<512x1xf32>
    %dot_general3A_64 = tpu.matmul %mul3A_59, %get3A_62, %dot_general3A_63 {dimension_numbers = #tpu.dot_dimension_numbers<[1], [0], [0], [1], [0, 0, 1, 1], [], []>, transpose_lhs_hint = false} : vector<512x128xf32>, vector<128x1xf32>, vector<512x1xf32> -> vector<512x1xf32>
    %swap3A_65 = arith.constant 0 : index
    %swap3A_66 = arith.constant 0 : index
    %swap3A_67 = vector.load %arg12[%swap3A_65, %swap3A_66] : memref<512x1xf32, #tpu.memory_space<vmem>>, vector<512x1xf32>
    tpu.vector_store %arg12[%swap3A_65, %swap3A_66], %dot_general3A_64 {strides = array<i32>} : memref<512x1xf32, #tpu.memory_space<vmem>>, vector<512x1xf32>,
    return
  }
  func.func @transform_0(%arg0: i32) -> (i32, i32) {
    %c0_i32 = arith.constant 0 : i32
    %c0_i32_0 = arith.constant 0 : i32
    return %arg0, %c0_i32 : i32, i32
  }
  func.func @transform_1(%arg0: i32) -> (i32, i32) {
    %c0_i32 = arith.constant 0 : i32
    %c0_i32_0 = arith.constant 0 : i32
    return %arg0, %c0_i32 : i32, i32
  }
  func.func @transform_2(%arg0: i32) -> (i32, i32) {
    %c0_i32 = arith.constant 0 : i32
    %c0_i32_0 = arith.constant 0 : i32
    return %arg0, %c0_i32 : i32, i32
  }
  func.func @transform_3(%arg0: i32) -> (i32, i32) {
    %c0_i32 = arith.constant 0 : i32
    %c0_i32_0 = arith.constant 0 : i32
    %c0_i32_1 = arith.constant 0 : i32
    return %c0_i32, %c0_i32_0 : i32, i32
  }
  func.func @transform_4(%arg0: i32) -> (i32, i32) {
    %c0_i32 = arith.constant 0 : i32
    %c0_i32_0 = arith.constant 0 : i32
    %c0_i32_1 = arith.constant 0 : i32
    return %c0_i32, %c0_i32_0 : i32, i32
  }
  func.func @transform_5(%arg0: i32) -> (i32, i32) {
    %c0_i32 = arith.constant 0 : i32
    %c0_i32_0 = arith.constant 0 : i32
    %c0_i32_1 = arith.constant 0 : i32
    return %c0_i32, %c0_i32_0 : i32, i32
  }
  func.func @transform_6(%arg0: i32) -> (i32, i32) {
    %c0_i32 = arith.constant 0 : i32
    %c0_i32_0 = arith.constant 0 : i32
    %c0_i32_1 = arith.constant 0 : i32
    return %c0_i32, %c0_i32_0 : i32, i32
  }
  func.func @transform_7(%arg0: i32) -> (i32, i32) {
    %c0_i32 = arith.constant 0 : i32
    %c0_i32_0 = arith.constant 0 : i32
    %c0_i32_1 = arith.constant 0 : i32
    return %c0_i32, %c0_i32_0 : i32, i32
  }
  func.func @transform_8(%arg0: i32) -> (i32, i32) {
    %c0_i32 = arith.constant 0 : i32
    %c0_i32_0 = arith.constant 0 : i32
    %c0_i32_1 = arith.constant 0 : i32
    return %c0_i32, %c0_i32_0 : i32, i32
  }
  func.func @transform_9(%arg0: i32) -> (i32, i32) {
    %c0_i32 = arith.constant 0 : i32
    %c0_i32_0 = arith.constant 0 : i32
    %c0_i32_1 = arith.constant 0 : i32
    return %c0_i32, %c0_i32_0 : i32, i32
  }
  func.func @transform_10(%arg0: i32) -> (i32, i32) {
    %c0_i32 = arith.constant 0 : i32
    %c0_i32_0 = arith.constant 0 : i32
    return %arg0, %c0_i32 : i32, i32
  }
  func.func @transform_11(%arg0: i32) -> (i32, i32) {
    %c0_i32 = arith.constant 0 : i32
    %c0_i32_0 = arith.constant 0 : i32
    return %arg0, %c0_i32 : i32, i32
  }
}

module attributes {stable_mosaic.version = 14 : i64} {
  func.func @_tc4_body(%arg0: i32, %arg1: memref<1000x128xf32, #tpu.memory_space<vmem>>, %arg2: memref<1000x128xf32, #tpu.memory_space<vmem>>, %arg3: memref<1000x128xf32, #tpu.memory_space<vmem>>, %arg4: memref<1000x16xf32, #tpu.memory_space<vmem>>, %arg5: memref<1000x16xf32, #tpu.memory_space<vmem>>, %arg6: memref<1000x16xf32, #tpu.memory_space<vmem>>, %arg7: memref<128x128xf32, #tpu.memory_space<vmem>>, %arg8: memref<128x128xf32, #tpu.memory_space<vmem>>, %arg9: memref<1x128xf32, #tpu.memory_space<vmem>>, %arg10: memref<128x128xf32, #tpu.memory_space<vmem>>, %arg11: memref<1x128xf32, #tpu.memory_space<vmem>>, %arg12: memref<1000x128xf32, #tpu.memory_space<vmem>>, %arg13: memref<1000x16xf32, #tpu.memory_space<vmem>>) attributes {dimension_semantics = [#tpu.dimension_semantics<arbitrary>], iteration_bounds = array<i64: 10>, scalar_prefetch = 0 : i64, scratch_operands = 0 : i64, tpu.core_type = #tpu.core_type<tc>, window_params = [{transform_indices = @transform_0, window_bounds = array<i64: 1000, 128>}, {transform_indices = @transform_1, window_bounds = array<i64: 1000, 128>}, {transform_indices = @transform_2, window_bounds = array<i64: 1000, 128>}, {transform_indices = @transform_3, window_bounds = array<i64: 1000, 16>}, {transform_indices = @transform_4, window_bounds = array<i64: 1000, 16>}, {transform_indices = @transform_5, window_bounds = array<i64: 1000, 16>}, {pipeline_mode = #tpu.pipeline_mode<synchronous>, transform_indices = @transform_6, window_bounds = array<i64: 128, 128>}, {pipeline_mode = #tpu.pipeline_mode<synchronous>, transform_indices = @transform_7, window_bounds = array<i64: 128, 128>}, {pipeline_mode = #tpu.pipeline_mode<synchronous>, transform_indices = @transform_8, window_bounds = array<i64: 1, 128>}, {pipeline_mode = #tpu.pipeline_mode<synchronous>, transform_indices = @transform_9, window_bounds = array<i64: 128, 128>}, {pipeline_mode = #tpu.pipeline_mode<synchronous>, transform_indices = @transform_10, window_bounds = array<i64: 1, 128>}, {transform_indices = @transform_11, window_bounds = array<i64: 1000, 128>}, {transform_indices = @transform_12, window_bounds = array<i64: 1000, 16>}]} {
    %get3A = arith.constant 0 : index
    %get3A_0 = arith.constant 0 : index
    %get3A_1 = vector.load %arg1[%get3A, %get3A_0] : memref<1000x128xf32, #tpu.memory_space<vmem>>, vector<1000x128xf32>
    %get3A_2 = arith.constant 0 : index
    %get3A_3 = arith.constant 0 : index
    %get3A_4 = vector.load %arg2[%get3A_2, %get3A_3] : memref<1000x128xf32, #tpu.memory_space<vmem>>, vector<1000x128xf32>
    %get3A_5 = arith.constant 0 : index
    %get3A_6 = arith.constant 0 : index
    %get3A_7 = vector.load %arg3[%get3A_5, %get3A_6] : memref<1000x128xf32, #tpu.memory_space<vmem>>, vector<1000x128xf32>
    %add3A = arith.addf %get3A_4, %get3A_7 : vector<1000x128xf32>
    %get3A_8 = arith.constant 0 : index
    %get3A_9 = arith.constant 0 : index
    %get3A_10 = vector.load %arg7[%get3A_8, %get3A_9] : memref<128x128xf32, #tpu.memory_space<vmem>>, vector<128x128xf32>
    %dot_general3A = arith.constant dense<0.000000e+00> : vector<1000x128xf32>
    %dot_general3A_11 = tpu.matmul %get3A_1, %get3A_10, %dot_general3A {dimension_numbers = #tpu.dot_dimension_numbers<[1], [0], [0], [1], [0, 0, 1, 1], [], []>, transpose_lhs_hint = false} : vector<1000x128xf32>, vector<128x128xf32>, vector<1000x128xf32> -> vector<1000x128xf32>
    %get3A_12 = arith.constant 0 : index
    %get3A_13 = arith.constant 0 : index
    %get3A_14 = vector.load %arg8[%get3A_12, %get3A_13] : memref<128x128xf32, #tpu.memory_space<vmem>>, vector<128x128xf32>
    %dot_general3A_15 = arith.constant dense<0.000000e+00> : vector<1000x128xf32>
    %dot_general3A_16 = tpu.matmul %add3A, %get3A_14, %dot_general3A_15 {dimension_numbers = #tpu.dot_dimension_numbers<[1], [0], [0], [1], [0, 0, 1, 1], [], []>, transpose_lhs_hint = false} : vector<1000x128xf32>, vector<128x128xf32>, vector<1000x128xf32> -> vector<1000x128xf32>
    %add3A_17 = arith.addf %dot_general3A_11, %dot_general3A_16 : vector<1000x128xf32>
    %get3A_18 = arith.constant 0 : index
    %get3A_19 = arith.constant 0 : index
    %get3A_20 = vector.load %arg9[%get3A_18, %get3A_19] : memref<1x128xf32, #tpu.memory_space<vmem>>, vector<1x128xf32>
    %add3A_21 = vector.broadcast %get3A_20 : vector<1x128xf32> to vector<1000x128xf32>
    %add3A_22 = arith.addf %add3A_17, %add3A_21 : vector<1000x128xf32>
    %logistic3A = arith.negf %add3A_22 : vector<1000x128xf32>
    %logistic3A_23 = math.exp %logistic3A : vector<1000x128xf32>
    %logistic3A_24 = arith.constant 1.000000e+00 : f32
    %logistic3A_25 = vector.broadcast %logistic3A_24 : f32 to vector<1000x128xf32>
    %logistic3A_26 = arith.addf %logistic3A_25, %logistic3A_23 : vector<1000x128xf32>
    %logistic3A_27 = arith.divf %logistic3A_25, %logistic3A_26 : vector<1000x128xf32>
    %mul3A = arith.mulf %add3A_22, %logistic3A_27 : vector<1000x128xf32>
    %get3A_28 = arith.constant 0 : index
    %get3A_29 = arith.constant 0 : index
    %get3A_30 = vector.load %arg10[%get3A_28, %get3A_29] : memref<128x128xf32, #tpu.memory_space<vmem>>, vector<128x128xf32>
    %dot_general3A_31 = arith.constant dense<0.000000e+00> : vector<1000x128xf32>
    %dot_general3A_32 = tpu.matmul %mul3A, %get3A_30, %dot_general3A_31 {dimension_numbers = #tpu.dot_dimension_numbers<[1], [0], [0], [1], [0, 0, 1, 1], [], []>, transpose_lhs_hint = false} : vector<1000x128xf32>, vector<128x128xf32>, vector<1000x128xf32> -> vector<1000x128xf32>
    %add3A_33 = arith.addf %get3A_1, %dot_general3A_32 : vector<1000x128xf32>
    %get3A_34 = arith.constant 0 : index
    %get3A_35 = arith.constant 0 : index
    %get3A_36 = vector.load %arg11[%get3A_34, %get3A_35] : memref<1x128xf32, #tpu.memory_space<vmem>>, vector<1x128xf32>
    %add3A_37 = vector.broadcast %get3A_36 : vector<1x128xf32> to vector<1000x128xf32>
    %add3A_38 = arith.addf %add3A_33, %add3A_37 : vector<1000x128xf32>
    %swap3A = arith.constant 0 : index
    %swap3A_39 = arith.constant 0 : index
    %swap3A_40 = vector.load %arg12[%swap3A, %swap3A_39] : memref<1000x128xf32, #tpu.memory_space<vmem>>, vector<1000x128xf32>
    tpu.vector_store %arg12[%swap3A, %swap3A_39], %add3A_38 {strides = array<i32>} : memref<1000x128xf32, #tpu.memory_space<vmem>>, vector<1000x128xf32>,
    %get3A_41 = arith.constant 0 : index
    %get3A_42 = arith.constant 0 : index
    %get3A_43 = vector.load %arg4[%get3A_41, %get3A_42] : memref<1000x16xf32, #tpu.memory_space<vmem>>, vector<1000x16xf32>
    %get3A_44 = arith.constant 0 : index
    %get3A_45 = arith.constant 0 : index
    %get3A_46 = vector.load %arg5[%get3A_44, %get3A_45] : memref<1000x16xf32, #tpu.memory_space<vmem>>, vector<1000x16xf32>
    %add3A_47 = arith.addf %get3A_43, %get3A_46 : vector<1000x16xf32>
    %get3A_48 = arith.constant 0 : index
    %get3A_49 = arith.constant 0 : index
    %get3A_50 = vector.load %arg6[%get3A_48, %get3A_49] : memref<1000x16xf32, #tpu.memory_space<vmem>>, vector<1000x16xf32>
    %add3A_51 = arith.addf %add3A_47, %get3A_50 : vector<1000x16xf32>
    %swap3A_52 = arith.constant 0 : index
    %swap3A_53 = arith.constant 0 : index
    %swap3A_54 = vector.load %arg13[%swap3A_52, %swap3A_53] : memref<1000x16xf32, #tpu.memory_space<vmem>>, vector<1000x16xf32>
    tpu.vector_store %arg13[%swap3A_52, %swap3A_53], %add3A_51 {strides = array<i32>} : memref<1000x16xf32, #tpu.memory_space<vmem>>, vector<1000x16xf32>,
    return
  }
  func.func @transform_0(%arg0: i32) -> (i32, i32) {
    %c0_i32 = arith.constant 0 : i32
    %c0_i32_0 = arith.constant 0 : i32
    return %arg0, %c0_i32 : i32, i32
  }
  func.func @transform_1(%arg0: i32) -> (i32, i32) {
    %c0_i32 = arith.constant 0 : i32
    %c0_i32_0 = arith.constant 0 : i32
    return %arg0, %c0_i32 : i32, i32
  }
  func.func @transform_2(%arg0: i32) -> (i32, i32) {
    %c0_i32 = arith.constant 0 : i32
    %c0_i32_0 = arith.constant 0 : i32
    return %arg0, %c0_i32 : i32, i32
  }
  func.func @transform_3(%arg0: i32) -> (i32, i32) {
    %c0_i32 = arith.constant 0 : i32
    %c0_i32_0 = arith.constant 0 : i32
    return %arg0, %c0_i32 : i32, i32
  }
  func.func @transform_4(%arg0: i32) -> (i32, i32) {
    %c0_i32 = arith.constant 0 : i32
    %c0_i32_0 = arith.constant 0 : i32
    return %arg0, %c0_i32 : i32, i32
  }
  func.func @transform_5(%arg0: i32) -> (i32, i32) {
    %c0_i32 = arith.constant 0 : i32
    %c0_i32_0 = arith.constant 0 : i32
    return %arg0, %c0_i32 : i32, i32
  }
  func.func @transform_6(%arg0: i32) -> (i32, i32) {
    %c0_i32 = arith.constant 0 : i32
    %c0_i32_0 = arith.constant 0 : i32
    %c0_i32_1 = arith.constant 0 : i32
    return %c0_i32, %c0_i32_0 : i32, i32
  }
  func.func @transform_7(%arg0: i32) -> (i32, i32) {
    %c0_i32 = arith.constant 0 : i32
    %c0_i32_0 = arith.constant 0 : i32
    %c0_i32_1 = arith.constant 0 : i32
    return %c0_i32, %c0_i32_0 : i32, i32
  }
  func.func @transform_8(%arg0: i32) -> (i32, i32) {
    %c0_i32 = arith.constant 0 : i32
    %c0_i32_0 = arith.constant 0 : i32
    %c0_i32_1 = arith.constant 0 : i32
    return %c0_i32, %c0_i32_0 : i32, i32
  }
  func.func @transform_9(%arg0: i32) -> (i32, i32) {
    %c0_i32 = arith.constant 0 : i32
    %c0_i32_0 = arith.constant 0 : i32
    %c0_i32_1 = arith.constant 0 : i32
    return %c0_i32, %c0_i32_0 : i32, i32
  }
  func.func @transform_10(%arg0: i32) -> (i32, i32) {
    %c0_i32 = arith.constant 0 : i32
    %c0_i32_0 = arith.constant 0 : i32
    %c0_i32_1 = arith.constant 0 : i32
    return %c0_i32, %c0_i32_0 : i32, i32
  }
  func.func @transform_11(%arg0: i32) -> (i32, i32) {
    %c0_i32 = arith.constant 0 : i32
    %c0_i32_0 = arith.constant 0 : i32
    return %arg0, %c0_i32 : i32, i32
  }
  func.func @transform_12(%arg0: i32) -> (i32, i32) {
    %c0_i32 = arith.constant 0 : i32
    %c0_i32_0 = arith.constant 0 : i32
    return %arg0, %c0_i32 : i32, i32
  }
}

</mosaic_0001>

<sc_bundles>
// kernel: kernel.10.cloned.1.call-start
scs
__scs_entry_jumppad:
0x0: {  	(pc) =	sbr.rel $0x88, $3  }
0x1: {  	(tag) =	ssettag $0x0;
	lr =	simm.s32 $0x1  }
0x2: {  	[smem:$0x3F90] =	sst lr;
	_ =	strace $0xD0000000  }
0x3: {  	_ = 	snop  }
0x4: {  	_ = 	snop  }
0x5: {  	_ = 	snop  }
0x6: {  	_ = 	snop  }
0x7: {  	_ = 	snop  }
__scs_overlays_trampoline_lowered:
0x8: {  	[smem:$0x3F9F] =	sst s0  }
0x9: {  	[smem:$0x3FA0] =	sst s1  }
0xa: {  	[smem:$0x3FA1] =	sst s2  }
0xb: {  	[smem:$0x3FA2] =	sst s3  }
0xc: {  	[smem:$0x3FA3] =	sst s4  }
0xd: {  	[smem:$0x3FA4] =	sst s5  }
0xe: {  	[smem:$0x3FA5] =	sst s6  }
0xf: {  	[smem:$0x3FA6] =	sst s7  }
0x10: {  	[smem:$0x3FA7] =	sst s8  }
0x11: {  	[smem:$0x3FA8] =	sst s9;
	s0 =	simm.s32 @!p0 $0x0  }
0x12: {  	s1 =	sld [smem:$0x3F8E];
	s0 =	simm.s32 @p0 $0x1  }
0x13: {  	[smem:$0x3FA9] =	sst s0;
	s0 =	simm.s32 @!p1 $0x0  }
0x14: {  	s2 =	sld [smem:$0x3F8D];
	s0 =	simm.s32 @p1 $0x1  }
0x15: {  	[smem:$0x3FAA] =	sst s0;
	s0 =	simm.s32 @!p2 $0x0  }
0x16: {  	s3 =	sld [smem:$0x3FDB];
	s0 =	simm.s32 @p2 $0x1  }
0x17: {  	s4 =	simm.s32 $0x1BF5;
	[smem:$0x3FAC] =	sst s0  }
0x18: {  	s0 =	sld [smem:$0x3F8F];
	_ =	swait.ge [sflag:s4], $0x0  }
0x19: {  	s7 =	sld [smem:$0x3F90]  }
0x1a: {  	s8 =	sadd.s32 $0xFFFFE003, lr  }
0x1b: {  	s9 =	sadd.s32 $0xFFFFFEF7, lr;
	s5 =	simm.s32 $0xFFFFFFFF;
	p2 =	slt.u32 s8, $0xFFFFF086  }
0x1c: {  	p1 =	slt.u32 s9, $0xF7A;
	s5 =	simm.s32 @!p2 $0x0  }
0x1d: {  	s5 =	simm.s32 @p1 $0x1;
	p0 =	seq.s32 s7, s2  }
0x1e: {  	s7 =	smul.u32 @!p0 $0xF7A, s2;
	p2 =	seq.s32 @!p0 s5, $0x0  }
0x1f: {  	s9 =	smul.u32 $0xF7A, s1;
	s8 =	simm.s32 @!p0 $0x1BF5;
	p2 =	por !p2, p0  }
0x20: {  	[sflag:s8] =	ssyncset.s32 @!p0 $0xFFFFF086;
	s6 =	sadd.s32 @!p0 s3, s7;
	s7 =	simm.s32 @!p0 $0x108  }
0x21: {  	s3 =	sadd.s32 s3, s9;
	s6 =	sadd.s32 @!p0 $0x88, s6;
	s7 =	simm.s32 @p2 $0x1082  }
0x22: {  	[simem:s7], [sflag:s8] =	dma.local @!p0 [hbm:s6], $0xF7A  }
0x23: {  	s9 =	sor.u32 $0xD0000000, s2;
	s6 =	simm.s32 $0x108;
	_ =	swait.ge @!p0 [sflag:s8], $0x0  }
0x24: {  	s3 =	sadd.s32 $0x88, s3;
	s6 =	simm.s32 @!p1 $0x1082;
	[sflag:s4] =	ssyncset.s32 $0xFFFFF086  }
0x25: {  	[simem:s6], [sflag:s4] =	dma.local [hbm:s3], $0xF7A  }
0x26: {  	[smem:$0x3F90] =	sst s1;
	(tag) =	ssettag s2;
	_ =	strace s9  }
0x27: {  	s1 =	sld [smem:$0x3FA0]  }
0x28: {  	s2 =	sld [smem:$0x3FA1]  }
0x29: {  	s4 =	sld [smem:$0x3FA3]  }
0x2a: {  	p0 =	seq.s32 s5, $0x0;
	s5 =	sld [smem:$0x3FA4]  }
0x2b: {  	s6 =	sld [smem:$0x3FA5]  }
0x2c: {  	s7 =	sld [smem:$0x3FA6]  }
0x2d: {  	s3 =	simm.s32 $0x108;
	s8 =	sld [smem:$0x3FA7]  }
0x2e: {  	s3 =	simm.s32 @!p0 $0x1082;
	s9 =	sld [smem:$0x3FA8]  }
0x2f: {  	lr =	sadd.s32 s0, s3;
	s0 =	sld [smem:$0x3F9F]  }
0x30: {  	s3 =	sld [smem:$0x3FA2]  }
0x31: {  	[smem:$0x3FAB] =	sst s10  }
0x32: {  	s10 =	sld [smem:$0x3FA9];
	_ =	sdelay $0x3  }
0x33: {  	p0 =	seq.s32 s10, $0x1;
	s10 =	sld [smem:$0x3FAB];
	_ =	sdelay $0x3  }
0x34: {  	[smem:$0x3FAB] =	sst s10  }
0x35: {  	s10 =	sld [smem:$0x3FAA];
	_ =	sdelay $0x3  }
0x36: {  	p1 =	seq.s32 s10, $0x1;
	s10 =	sld [smem:$0x3FAB];
	_ =	sdelay $0x3  }
0x37: {  	[smem:$0x3FAB] =	sst s10  }
0x38: {  	s10 =	sld [smem:$0x3FAC]  }
0x39: {  	_ = 	snop;
	(pc) =	sbr.ind lr, $3  }
0x3a: {  	_ = 	snop  }
0x3b: {  	_ = 	snop  }
0x3c: {  	p2 =	seq.s32 s10, $0x1;
	s10 =	sld [smem:$0x3FAB]  }
0x3d: {  	_ =	shalt  }
0x3e: {  	_ =	shalt  }
0x3f: {  	_ =	shalt  }
0x40: {  	_ =	shalt  }
0x41: {  	_ =	shalt  }
0x42: {  	_ =	shalt  }
0x43: {  	_ =	shalt  }
0x44: {  	_ =	shalt  }
0x45: {  	_ =	shalt  }
0x46: {  	_ =	shalt  }
0x47: {  	_ =	shalt  }
0x48: {  	_ =	shalt  }
0x49: {  	_ =	shalt  }
0x4a: {  	_ =	shalt  }
0x4b: {  	_ =	shalt  }
0x4c: {  	_ =	shalt  }
0x4d: {  	_ =	shalt  }
0x4e: {  	_ =	shalt  }
0x4f: {  	_ =	shalt  }
0x50: {  	_ =	shalt  }
0x51: {  	_ =	shalt  }
0x52: {  	_ =	shalt  }
0x53: {  	_ =	shalt  }
0x54: {  	_ =	shalt  }
0x55: {  	_ =	shalt  }
0x56: {  	_ =	shalt  }
0x57: {  	_ =	shalt  }
0x58: {  	_ =	shalt  }
0x59: {  	_ =	shalt  }
0x5a: {  	_ =	shalt  }
0x5b: {  	_ =	shalt  }
0x5c: {  	_ =	shalt  }
0x5d: {  	_ =	shalt  }
0x5e: {  	_ =	shalt  }
0x5f: {  	_ =	shalt  }
0x60: {  	_ =	shalt  }
0x61: {  	_ =	shalt  }
0x62: {  	_ =	shalt  }
0x63: {  	_ =	shalt  }
0x64: {  	_ =	shalt  }
0x65: {  	_ =	shalt  }
0x66: {  	_ =	shalt  }
0x67: {  	_ =	shalt  }
0x68: {  	_ =	shalt  }
0x69: {  	_ =	shalt  }
0x6a: {  	_ =	shalt  }
0x6b: {  	_ =	shalt  }
0x6c: {  	_ =	shalt  }
0x6d: {  	_ =	shalt  }
0x6e: {  	_ =	shalt  }
0x6f: {  	_ =	shalt  }
0x70: {  	_ =	shalt  }
0x71: {  	_ =	shalt  }
0x72: {  	_ =	shalt  }
0x73: {  	_ =	shalt  }
0x74: {  	_ =	shalt  }
0x75: {  	_ =	shalt  }
0x76: {  	_ =	shalt  }
0x77: {  	_ =	shalt  }
0x78: {  	_ =	shalt  }
0x79: {  	_ =	shalt  }
0x7a: {  	_ =	shalt  }
0x7b: {  	_ =	shalt  }
0x7c: {  	_ =	shalt  }
0x7d: {  	_ =	shalt  }
0x7e: {  	_ =	shalt  }
0x7f: {  	_ =	shalt  }
0x80: {  	_ =	shalt  }
0x81: {  	_ =	shalt  }
0x82: {  	_ =	shalt  }
0x83: {  	_ =	shalt  }
0x84: {  	_ =	shalt  }
0x85: {  	_ =	shalt  }
0x86: {  	_ =	shalt  }
0x87: {  	_ =	shalt  }
.Lfunc_end0:
.L_simem_size_0:
called_computation.1_lowered:
.L_overlay_start_0:
0x88: {  	s2 =	sld [smem:$0x3FD9]  }
0x89: {  	s3 =	sld [smem:$0x3FFE];
	_ =	sdelay $0x1  }
0x8a: {  	s1 =	srdreg.scid  }
0x8b: {  	s0 =	sand.u32 $0x1, s1  }
0x8c: {  	s14 =	sshll.u32 s0, $0xA;
	s2 =	sadd.s32 s3, s2  }
0x8d: {  	s2 =	sadd.s32 s2, s14  }
0x8e: {  	[smem:$0x3FB7] =	sst s2  }
0x8f: {  	_ = 	snop  }
0x90: {  	s2 =	sld [smem:$0x3FD0];
	_ =	sdelay $0x1  }
0x91: {  	s15 =	sld [smem:$0x3FC7]  }
0x92: {  	s5 =	simm.s32 $0xA;
	s6 =	simm.s32 $0x10;
	s4 =	sld [smem:$0x3FC6]  }
0x93: {  	[smem:s6], [sflag:s5] =	dma.local [hbm:s2], $0x1  }
0x94: {  	_ =	swait.eq [sflag:s5], $0x1  }
0x95: {  	[sflag:s5] =	ssyncset.done $0x0  }
0x96: {  	s16 =	sld [smem:$0x10];
	[sflag:s5] =	ssyncadd.s32 $0xFFFFFFFF  }
0x97: {  	s17 =	sld [smem:$0x11];
	(tm) =	ssettm $0x1  }
0x98: {  	s18 =	sld [smem:$0x3FFB];
	_ =	sdelay $0x3  }
0x99: {  	_ =	strace s18  }
0x9a: {  	s6 =	sld [smem:$0x3FFC];
	_ =	sdelay $0x3  }
0x9b: {  	_ =	strace s6  }
0x9c: {  	s6 =	sld [smem:$0x3FFD];
	_ =	sdelay $0x3  }
0x9d: {  	_ =	strace s6  }
0x9e: {  	_ =	strace $0x8FFFFFFF  }
0x9f: {  	s19 =	sld [smem:$0x3FDB];
	_ =	sdelay $0x1  }
0xa0: {  	s7 =	simm.s32 $_scs_section_size  }
0xa1: {  	s8 =	simm.s32 $_size__tile_overlayer_lowered;
	s9 =	simm.s32 $_tile_overlayer_lowered  }
0xa2: {  	s22 =	simm.s32 $0x1BFF;
	s21 =	sshll.u32 s9, $0x1;
	s6 =	sadd.s32 s7, s19  }
0xa3: {  	s10 =	simm.s32 $0x0;
	s20 =	sshll.u32 s8, $0x1;
	s8 =	sadd.s32 s21, s6  }
0xa4: {  	[timem:s10], [sflag:s22] =	dma.local [hbm:s8], s20  }
0xa5: {  	_ =	swait.ge [sflag:s22], s20  }
0xa6: {  	s7 =	ssub.s32 $0x0, s20;
	[sflag:s22] =	ssyncset.done $0x0  }
0xa7: {  	[sflag:s22] =	ssyncadd.s32 s7;
	_ =	sdelay $0x1  }
0xa8: {  	s23 =	simm.s32 $0x1B8B  }
0xa9: {  	_ =	swait.ge [sflag:s23], $0x1  }
0xaa: {  	[sflag:s23] =	ssyncset.done $0x0  }
0xab: {  	s25 =	simm.s32 $0x1B8E;
	s24 =	sld [smem:$0x3FFE];
	[sflag:s23] =	ssyncadd.s32 $0xFFFFFFFF  }
0xac: {  	s26 =	simm.s32 $execute0_lowered;
	[smem:$0x3FD2] =	sst s25  }
0xad: {  	s8 =	sshll.u32 s26, $0x1;
	_ =	strace $0x80000049;
	[dreg:$0x1] =	wrdreg $0xFFFFFFFF  }
0xae: {  	s28 =	simm.s32 $_size_execute0_lowered;
	s6 =	sadd.s32 s6, s8;
	[dreg:$0x0] =	wrdreg $0x0  }
0xaf: {  	s8 =	sshll.u32 s28, $0x1;
	[dreg:$0x2] =	wrdreg s6  }
0xb0: {  	[dreg:$0x3] =	wrdreg s8  }
0xb1: {  	[dreg:$0x4] =	wrdreg $0xC0  }
0xb2: {  	_ =	task [dreg:s10], $0x5FFFF  }
0xb3: {  	[dreg:$0x1] =	wrdreg $0xFFFFFFFF  }
0xb4: {  	[dreg:$0x0] =	wrdreg $0x60  }
0xb5: {  	[dreg:$0x2] =	wrdreg s17  }
0xb6: {  	[dreg:$0x3] =	wrdreg s24  }
0xb7: {  	[dreg:$0x4] =	wrdreg s15  }
0xb8: {  	[dreg:$0x5] =	wrdreg s4  }
0xb9: {  	[dreg:$0x6] =	wrdreg s16  }
0xba: {  	[dreg:$0x7] =	wrdreg $0x2DF00  }
0xbb: {  	[dreg:$0x8] =	wrdreg $0x16DF00  }
0xbc: {  	[dreg:$0x9] =	wrdreg $0x9  }
0xbd: {  	_ =	task.clear_ibuf [dreg:s10], $0xAFFFF;
	_ =	strace $0x90000049  }
0xbe: {  	s29 =	simm.s32 $0x9;
	_ =	strace $0x8000004B  }
0xbf: {  	_ =	swait.ge [sflag:s29], $0x1  }
0xc0: {  	[sflag:s29] =	ssyncadd.s32 $0xFFFFFFFF  }
0xc1: {  	_ =	strace $0x9000004B  }
0xc2: {  	_ =	sfence  }
0xc3: {  	s30 =	sld [smem:$0x0];
	_ =	sdelay $0x2  }
0xc4: {  	s31 =	sshll.u32 s1, $0xD;
	s1 =	sshrl.u32 s1, $0x2  }
0xc5: {  	s3 =	sand.u32 $0x4000, s31;
	s1 =	sadd.s32 s1, s30  }
0xc6: {  	s0 =	sor.u32 s3, s0;
	s1 =	sshll.u32 s1, $0x11  }
0xc7: {  	s0 =	sor.u32 s1, s0  }
0xc8: {  	s0 =	sadd.s32 $0x8F2B, s0  }
0xc9: {  	[sflag:s0] =	ssyncadd.remote.s32 $0x1  }
0xca: {  	_ =	sfence.sel $0xFFFF  }
0xcb: {  	[dreg:$0x0] =	wrdreg $0xFFFFFFFF;
	(pc) =	sbr.abs _section_cstart, $3  }
0xcc: {  	[dreg:$0x1] =	wrdreg $0xFFFFFFFF  }
0xcd: {  	_ =	task.clear_ibuf [dreg:s10], $0x2FFFF;
	_ =	strace $0x9FFFFFFF  }
0xce: {  	(tm) =	ssettm $0x7FFFFFFF  }
0xcf: {  	_ =	shalt  }
tec
execute0_lowered:
.L_overlay_start_1:
0x0: {  	(tag) =	ssettag $0x1  }
0x1: {  	s0 =	rddreg [dreg:$0x0]  }
0x2: {  	s1 =	rddreg [dreg:$0x1]  }
0x3: {  	s2 =	rddreg [dreg:$0x2]  }
0x4: {  	s3 =	rddreg [dreg:$0x3]  }
0x5: {  	s4 =	rddreg [dreg:$0x4];
	s6 =	srdreg.scid  }
0x6: {  	s16 =	stileid.u32;
	s5 =	rddreg [dreg:$0x5]  }
0x7: {  	s7 =	simm.s32 $0x0;
	s31 =	simm.s32 $0x1;
	s11 =	smul.u32 $0x14000, s16  }
0x8: {  	s13 =	sand.u32 $0x1, s6;
	[smem:$0x7FF] =	sst s7;
	s14 =	smul.u32 $0x280, s16  }
0x9: {  	s9 =	sadd.s32 $0x4E7400, s1;
	s12 =	sshll.u32 s16, $0x1;
	s16 =	smul.u32 $0x2800, s16  }
0xa: {  	s6 =	rddreg [dreg:$0x6];
	s8 =	smul.u32 $0x140000, s13;
	_ =	strace $0x8000004A  }
0xb: {  	s24 =	ssub.s32 $0x2, s13;
	s12 =	sor.u32 s13, s12;
	s13 =	smul.u32 $0x28000, s13  }
0xc: {  	s15 =	sshrl.u32 s24, $0x1;
	s17 =	sor.u32 $0x50, s14;
	s25 =	sadd.s32 $0xA0, s14  }
0xd: {  	s19 =	sadd.s32 $0xF0, s14;
	s22 =	sadd.s32 $0x140, s14;
	s8 =	sadd.s32 s11, s8  }
0xe: {  	s15 =	ssub.s32 s24, s15;
	s11 =	sadd.s32 s11, s5;
	s18 =	sshll.u32 s17, $0x7  }
0xf: {  	s17 =	sshll.u32 s17, $0x4;
	s26 =	sshll.u32 s25, $0x7;
	s20 =	sshll.u32 s19, $0x7  }
0x10: {  	s21 =	sshll.u32 s19, $0x4;
	s13 =	sadd.s32 s16, s13;
	s24 =	sshll.u32 s22, $0x7  }
0x11: {  	s10 =	sshrl.u32 s8, $0x3;
	s8 =	sadd.s32 $0x4800, s1;
	s18 =	sadd.s32 s18, s5  }
0x12: {  	s17 =	sadd.s32 s17, s6;
	s20 =	sadd.s32 s20, s5;
	s23 =	sadd.s32 s21, s6  }
0x13: {  	s13 =	sshrl.u32 s13, $0x3;
	s21 =	sadd.s32 $0x230, s14;
	s30 =	smax.u32 s15, $0x1  }
0x14: {  	s15 =	simm.s32 $0x0;
	s1 =	sadd.s32 s10, s1;
	[dreg:$0x8] =	wrdreg s18  }
0x15: {  	s10 =	smul.u32 $0x2710, s12;
	s12 =	sadd.s32 s16, s6;
	[dreg:$0x9] =	wrdreg s17  }
0x16: {  	s18 =	sshll.u32 s25, $0x4;
	s17 =	sadd.s32 s26, s5;
	[dreg:$0xc] =	wrdreg s20  }
0x17: {  	[dreg:$0xd] =	wrdreg s23;
	s25 =	sshll.u32 s22, $0x4;
	s4 =	sadd.s32 s4, s13  }
0x18: {  	s26 =	sadd.s32 $0x190, s14;
	s16 =	sadd.s32 s24, s5;
	[dreg:$0xa] =	wrdreg s17  }
0x19: {  	s20 =	sadd.s32 $0x1E0, s14;
	s14 =	simm.s32 $0x50;
	[dreg:$0xe] =	wrdreg s4  }
0x1a: {  	s18 =	sadd.s32 s18, s6;
	[dreg:$0xf] =	wrdreg s16;
	s19 =	sshll.u32 s26, $0x7  }
0x1b: {  	s4 =	sshll.u32 s26, $0x4;
	s13 =	sshll.u32 s20, $0x4;
	s26 =	sshll.u32 s21, $0x7  }
0x1c: {  	s29 =	sadd.s32 $0xE600, s1;
	s1 =	simm.s32 $0x2D50;
	[dreg:$0xb] =	wrdreg s18  }
0x1d: {  	s18 =	sadd.s32 s25, s6;
	s22 =	sadd.s32 s19, s5;
	s23 =	sadd.s32 s4, s6  }
0x1e: {  	s25 =	sshll.u32 s20, $0x7;
	s26 =	sadd.s32 s26, s5;
	s4 =	sshll.u32 s21, $0x4  }
0x1f: {  	v1 =	vlaneseq.u32;
	[dreg:$0x10] =	wrdreg s18;
	s24 =	sadd.s32 s25, s5;
	s25 =	sadd.s32 s13, s6  }
0x20: {  	v0 =	vimm.f32 $0.0e+00;
	v1 =	vmul.u32 $0x10, v1;
	s28 =	sadd.s32 s4, s6;
	s4 =	simm.s32 $0x2800;
	s13 =	simm.s32 $0x2DA0  }
.LBB2_1:
0x21: {  	s16 =	simm.s32 $0x40  }
0x22: {  	[tilespmem:s16+$0xFFFFFFD0] =	vst v0  }
0x23: {  	[tilespmem:s16+$0xFFFFFFE0] =	vst v0  }
0x24: {  	[tilespmem:s16+$0xFFFFFFF0] =	vst v0  }
0x25: {  	[tilespmem:s16+$0x0] =	vst v0  }
0x26: {  	[tilespmem:s16+$0x10] =	vst v0  }
0x27: {  	[tilespmem:s16+$0x20] =	vst v0  }
0x28: {  	[tilespmem:s16+$0x30] =	vst v0  }
0x29: {  	s18 =	simm.s32 $0x0;
	s17 =	simm.s32 $0x40;
	[tilespmem:s16+$0xFFFFFFC0] =	vst v0  }
.LBB2_2:
0x2a: {  	p0 =	sne.s32 s17, $0x13C0;
	[tilespmem:s18+$0x2800] =	vst v0;
	s16 =	sadd.s32 $0x80, s16  }
0x2b: {  	[tilespmem:s16+$0xFFFFFFD0] =	vst v0  }
0x2c: {  	[tilespmem:s16+$0xFFFFFFE0] =	vst v0  }
0x2d: {  	[tilespmem:s16+$0xFFFFFFF0] =	vst v0  }
.Ltmp0:
0x2e: {  	[tilespmem:s16+$0x0] =	vst v0;
	(pc) =	sbr.rel @p0 .LBB2_2-.Ltmp0, $4  }
0x2f: {  	[tilespmem:s16+$0x10] =	vst v0  }
0x30: {  	[tilespmem:s16+$0x20] =	vst v0  }
0x31: {  	[tilespmem:s16+$0x30] =	vst v0  }
0x32: {  	s18 =	sshra.s32 s17, $0x2;
	s17 =	sadd.s32 $0x40, s17;
	[tilespmem:s16+$0xFFFFFFC0] =	vst v0  }
0x33: {  	[tilespmem:s18+$0x2800] =	vst v0;
	s16 =	simm.s32 $0x0  }
0x34: {  	[spmem:s11] =	stream.linear.scatter [tilespmem:s16], [sflag:$0x1], $0x2800, $0x38;
	[tilespmem:$0x195F0] =	vst v63  }
0x35: {  	_ =	swait.ge [sflag:s31], $0x2800  }
0x36: {  	[sflag:s31] =	ssyncset.done $0x0  }
0x37: {  	[sflag:s31] =	ssyncadd.s32 $0xFFFFD800  }
0x38: {  	[spmem:s12] =	stream.linear.scatter [tilespmem:s4], [sflag:$0x1], $0x500, $0x38;
	[tilespmem:$0x195F0] =	vst v63  }
0x39: {  	_ =	swait.ge [sflag:s31], $0x500  }
0x3a: {  	[sflag:s31] =	ssyncset.done $0x0  }
0x3b: {  	s17 =	rddreg [dreg:$0x8];
	[sflag:s31] =	ssyncadd.s32 $0xFFFFFB00  }
0x3c: {  	[spmem:s17] =	stream.linear.scatter [tilespmem:s16], [sflag:$0x1], $0x2800, $0x38;
	[tilespmem:$0x195F0] =	vst v63  }
0x3d: {  	_ =	swait.ge [sflag:s31], $0x2800  }
0x3e: {  	[sflag:s31] =	ssyncset.done $0x0  }
0x3f: {  	s19 =	rddreg [dreg:$0x9];
	[sflag:s31] =	ssyncadd.s32 $0xFFFFD800  }
0x40: {  	[spmem:s19] =	stream.linear.scatter [tilespmem:s4], [sflag:$0x1], $0x500, $0x38;
	[tilespmem:$0x195F0] =	vst v63  }
0x41: {  	_ =	swait.ge [sflag:s31], $0x500  }
0x42: {  	[sflag:s31] =	ssyncset.done $0x0  }
0x43: {  	s20 =	rddreg [dreg:$0xa];
	[sflag:s31] =	ssyncadd.s32 $0xFFFFFB00  }
0x44: {  	[spmem:s20] =	stream.linear.scatter [tilespmem:s16], [sflag:$0x1], $0x2800, $0x38;
	[tilespmem:$0x195F0] =	vst v63  }
0x45: {  	_ =	swait.ge [sflag:s31], $0x2800  }
0x46: {  	[sflag:s31] =	ssyncset.done $0x0  }
0x47: {  	s21 =	rddreg [dreg:$0xb];
	[sflag:s31] =	ssyncadd.s32 $0xFFFFD800  }
0x48: {  	[spmem:s21] =	stream.linear.scatter [tilespmem:s4], [sflag:$0x1], $0x500, $0x38;
	[tilespmem:$0x195F0] =	vst v63  }
0x49: {  	_ =	swait.ge [sflag:s31], $0x500  }
0x4a: {  	[sflag:s31] =	ssyncset.done $0x0  }
0x4b: {  	s18 =	rddreg [dreg:$0xc];
	[sflag:s31] =	ssyncadd.s32 $0xFFFFFB00  }
0x4c: {  	[spmem:s18] =	stream.linear.scatter [tilespmem:s16], [sflag:$0x1], $0x2800, $0x38;
	[tilespmem:$0x195F0] =	vst v63  }
0x4d: {  	_ =	swait.ge [sflag:s31], $0x2800  }
0x4e: {  	[sflag:s31] =	ssyncset.done $0x0  }
0x4f: {  	s19 =	rddreg [dreg:$0xd];
	[sflag:s31] =	ssyncadd.s32 $0xFFFFD800  }
0x50: {  	[spmem:s19] =	stream.linear.scatter [tilespmem:s4], [sflag:$0x1], $0x500, $0x38;
	[tilespmem:$0x195F0] =	vst v63  }
0x51: {  	_ =	swait.ge [sflag:s31], $0x500  }
0x52: {  	[sflag:s31] =	ssyncset.done $0x0  }
0x53: {  	s20 =	rddreg [dreg:$0xf];
	[sflag:s31] =	ssyncadd.s32 $0xFFFFFB00  }
0x54: {  	[spmem:s20] =	stream.linear.scatter [tilespmem:s16], [sflag:$0x1], $0x2800, $0x38;
	[tilespmem:$0x195F0] =	vst v63  }
0x55: {  	_ =	swait.ge [sflag:s31], $0x2800  }
0x56: {  	[sflag:s31] =	ssyncset.done $0x0  }
0x57: {  	s21 =	rddreg [dreg:$0x10];
	[sflag:s31] =	ssyncadd.s32 $0xFFFFD800  }
0x58: {  	[spmem:s21] =	stream.linear.scatter [tilespmem:s4], [sflag:$0x1], $0x500, $0x38;
	[tilespmem:$0x195F0] =	vst v63  }
0x59: {  	_ =	swait.ge [sflag:s31], $0x500  }
0x5a: {  	[sflag:s31] =	ssyncset.done $0x0  }
0x5b: {  	[sflag:s31] =	ssyncadd.s32 $0xFFFFFB00  }
0x5c: {  	[spmem:s22] =	stream.linear.scatter [tilespmem:s16], [sflag:$0x1], $0x2800, $0x38;
	[tilespmem:$0x195F0] =	vst v63  }
0x5d: {  	_ =	swait.ge [sflag:s31], $0x2800  }
0x5e: {  	[sflag:s31] =	ssyncset.done $0x0  }
0x5f: {  	[sflag:s31] =	ssyncadd.s32 $0xFFFFD800  }
0x60: {  	[spmem:s23] =	stream.linear.scatter [tilespmem:s4], [sflag:$0x1], $0x500, $0x38;
	[tilespmem:$0x195F0] =	vst v63  }
0x61: {  	_ =	swait.ge [sflag:s31], $0x500  }
0x62: {  	[sflag:s31] =	ssyncset.done $0x0  }
0x63: {  	[sflag:s31] =	ssyncadd.s32 $0xFFFFFB00  }
0x64: {  	[spmem:s24] =	stream.linear.scatter [tilespmem:s16], [sflag:$0x1], $0x2800, $0x38;
	[tilespmem:$0x195F0] =	vst v63  }
0x65: {  	_ =	swait.ge [sflag:s31], $0x2800  }
0x66: {  	[sflag:s31] =	ssyncset.done $0x0  }
0x67: {  	[sflag:s31] =	ssyncadd.s32 $0xFFFFD800  }
0x68: {  	[spmem:s25] =	stream.linear.scatter [tilespmem:s4], [sflag:$0x1], $0x500, $0x38;
	[tilespmem:$0x195F0] =	vst v63  }
0x69: {  	_ =	swait.ge [sflag:s31], $0x500  }
0x6a: {  	[sflag:s31] =	ssyncset.done $0x0  }
0x6b: {  	[sflag:s31] =	ssyncadd.s32 $0xFFFFFB00  }
0x6c: {  	[spmem:s26] =	stream.linear.scatter [tilespmem:s16], [sflag:$0x1], $0x2800, $0x38;
	[tilespmem:$0x195F0] =	vst v63  }
0x6d: {  	_ =	swait.ge [sflag:s31], $0x2800  }
0x6e: {  	[sflag:s31] =	ssyncset.done $0x0  }
0x6f: {  	[sflag:s31] =	ssyncadd.s32 $0xFFFFD800  }
0x70: {  	[spmem:s28] =	stream.linear.scatter [tilespmem:s4], [sflag:$0x1], $0x500, $0x38;
	[tilespmem:$0x195F0] =	vst v63  }
0x71: {  	_ =	swait.ge [sflag:s31], $0x500  }
0x72: {  	[sflag:s31] =	ssyncset.done $0x0  }
0x73: {  	[sflag:s31] =	ssyncadd.s32 $0xFFFFFB00  }
0x74: {  	s17 =	simm.s32 $0x0;
	[bflag:$0x0] =	sbarrier.arrive $0xFFFF  }
.LBB2_4:
0x75: {  	s18 =	smul.u32 $0x50, s17;
	_ =	sdelay $0x1  }
0x76: {  	s19 =	sadd.s32 s10, s18  }
0x77: {  	s18 =	sshll.u32 s19, $0x4  }
0x78: {  	s18 =	sadd.s32 s0, s18  }
0x79: {  	[tilespmem:s16], [sflag:$0x1] =	stream.linear.gather [hbm4b:s18+s16], $0x2800, $0x38;
	[tilespmem:$0x195F0] =	vst v63  }
0x7a: {  	_ =	swait.ge [sflag:s31], $0x2800  }
0x7b: {  	s20 =	sshrl.u32 s19, $0x3;
	[sflag:s31] =	ssyncset.done $0x0  }
0x7c: {  	s21 =	sadd.s32 s8, s20;
	s18 =	simm.s32 $0x2D00;
	[sflag:s31] =	ssyncadd.s32 $0xFFFFD800  }
0x7d: {  	[tilespmem:s18], [sflag:$0x1] =	stream.linear.gather [hbm4b:s21+s16], $0x50, $0x38;
	[tilespmem:$0x195F0] =	vst v63  }
0x7e: {  	_ =	swait.ge [sflag:s31], $0x50  }
0x7f: {  	[sflag:s31] =	ssyncset.done $0x0  }
0x80: {  	s21 =	sadd.s32 s2, s20;
	[sflag:s31] =	ssyncadd.s32 $0xFFFFFFB0  }
0x81: {  	[tilespmem:s1], [sflag:$0x1] =	stream.linear.gather [hbm4b:s21+s16], $0x50, $0x38;
	[tilespmem:$0x195F0] =	vst v63  }
0x82: {  	_ =	swait.ge [sflag:s31], $0x50  }
0x83: {  	[sflag:s31] =	ssyncset.done $0x0  }
0x84: {  	s20 =	sadd.s32 s3, s20;
	[sflag:s31] =	ssyncadd.s32 $0xFFFFFFB0  }
0x85: {  	[tilespmem:s13], [sflag:$0x1] =	stream.linear.gather [hbm4b:s20+s16], $0x50, $0x38;
	[tilespmem:$0x195F0] =	vst v63  }
0x86: {  	v2 =	vmov s16;
	_ =	swait.ge [sflag:s31], $0x50  }
0x87: {  	v2 =	vshll.u32 v2, $0x4;
	s19 =	sshll.u32 s19, $0x1;
	[sflag:s31] =	ssyncset.done $0x0  }
0x88: {  	v2 =	vor.u32 v1, v2;
	s19 =	sadd.s32 s9, s19;
	[sflag:s31] =	ssyncadd.s32 $0xFFFFFFB0  }
0x89: {  	[tilespmem:s4], [sflag:$0x1] =	stream.linear.gather [hbm4b:s19+s16], $0x500, $0x38;
	[tilespmem:$0x195F0] =	vst v63  }
0x8a: {  	_ =	swait.ge [sflag:s31], $0x500  }
0x8b: {  	[sflag:s31] =	ssyncset.done $0x0  }
0x8c: {  	[sflag:s31] =	ssyncadd.s32 $0xFFFFFB00  }
0x8d: {  	v3 =	vld.idx.msk [tilespmem:v2+s4+$0x0], $0xffff  }
0x8e: {  	v4 =	vld [tilespmem:s18+$0x0];
	_ =	sdelay $0x4  }
0x8f: {  	v5 =	vor.u32 $0x1, v2;
	v3 =	vmul.f32 v3, v4;
	_ =	sdelay $0x1  }
0x90: {  	v3 =	vmax.f32 v3, $-1.000000000e+02  }
0x91: {  	v3 =	vmin.f32 v3, $1.000000000e+02  }
0x92: {  	[tilespmem:v2+s4+$0x0] =	vst.idx.msk $0xffff, v3  }
0x93: {  	v3 =	vld.idx.msk [tilespmem:v5+s4+$0x0], $0xffff;
	_ =	sdelay $0x4  }
0x94: {  	v6 =	vmul.f32 v3, v4;
	v3 =	vor.u32 $0x2, v2;
	_ =	sdelay $0x1  }
0x95: {  	v2 =	vmax.f32 v6, $-1.000000000e+02  }
0x96: {  	v2 =	vmin.f32 v2, $1.000000000e+02  }
0x97: {  	[tilespmem:v5+s4+$0x0] =	vst.idx.msk $0xffff, v2  }
0x98: {  	v2 =	vld.idx.msk [tilespmem:v3+s4+$0x0], $0xffff;
	_ =	sdelay $0x3  }
0x99: {  	s21 =	simm.s32 $0x10  }
0x9a: {  	v2 =	vmul.f32 v2, v4;
	v4 =	vmov s21  }
0x9b: {  	v4 =	vshll.u32 v4, $0x4  }
0x9c: {  	v5 =	vmax.f32 v2, $-1.000000000e+02;
	v2 =	vor.u32 v1, v4;
	_ =	sdelay $0x1  }
0x9d: {  	s19 =	simm.s32 $0x20;
	v4 =	vmin.f32 v5, $1.000000000e+02  }
.LBB2_5:
0x9e: {  	p0 =	sne.s32 s19, $0x40  }
0x9f: {  	[tilespmem:v3+s4+$0x0] =	vst.idx.msk $0xffff, v4;
	s18 =	sadd.s32 $0x10, s18;
	s20 =	smov.u32 s19;
	s19 =	sadd.s32 $0x10, s19  }
0xa0: {  	v3 =	vld.idx.msk [tilespmem:v2+s4+$0x0], $0xffff  }
0xa1: {  	v4 =	vld [tilespmem:s18+$0x0];
	_ =	sdelay $0x4  }
0xa2: {  	v5 =	vor.u32 $0x1, v2;
	v3 =	vmul.f32 v3, v4;
	_ =	sdelay $0x1  }
0xa3: {  	v3 =	vmax.f32 v3, $-1.000000000e+02  }
0xa4: {  	v3 =	vmin.f32 v3, $1.000000000e+02  }
0xa5: {  	[tilespmem:v2+s4+$0x0] =	vst.idx.msk $0xffff, v3  }
0xa6: {  	v3 =	vld.idx.msk [tilespmem:v5+s4+$0x0], $0xffff;
	_ =	sdelay $0x5  }
0xa7: {  	v6 =	vmul.f32 v3, v4;
	v3 =	vor.u32 $0x2, v2;
	_ =	sdelay $0x1  }
0xa8: {  	v2 =	vmax.f32 v6, $-1.000000000e+02  }
0xa9: {  	v2 =	vmin.f32 v2, $1.000000000e+02  }
0xaa: {  	[tilespmem:v5+s4+$0x0] =	vst.idx.msk $0xffff, v2  }
0xab: {  	v5 =	vld.idx.msk [tilespmem:v3+s4+$0x0], $0xffff;
	_ =	sdelay $0x3  }
0xac: {  	v2 =	vmov s20  }
.Ltmp1:
0xad: {  	v2 =	vshll.u32 v2, $0x4;
	(pc) =	sbr.rel @p0 .LBB2_5-.Ltmp1, $3  }
0xae: {  	v2 =	vor.u32 v1, v2;
	v4 =	vmul.f32 v5, v4;
	_ =	sdelay $0x1  }
0xaf: {  	v4 =	vmax.f32 v4, $-1.000000000e+02  }
0xb0: {  	v4 =	vmin.f32 v4, $1.000000000e+02  }
0xb1: {  	_ =	sdelay $0x3  }
0xb2: {  	[tilespmem:v3+s4+$0x0] =	vst.idx.msk $0xffff, v4  }
0xb3: {  	s18 =	sadd.s32 $0x10, s18;
	v3 =	vld.idx.msk [tilespmem:v2+s4+$0x0], $0xffff  }
0xb4: {  	v4 =	vld [tilespmem:s18+$0x0];
	_ =	sdelay $0x4  }
0xb5: {  	v5 =	vor.u32 $0x1, v2;
	v3 =	vmul.f32 v3, v4;
	_ =	sdelay $0x1  }
0xb6: {  	v3 =	vmax.f32 v3, $-1.000000000e+02  }
0xb7: {  	v3 =	vmin.f32 v3, $1.000000000e+02  }
0xb8: {  	[tilespmem:v2+s4+$0x0] =	vst.idx.msk $0xffff, v3  }
0xb9: {  	v3 =	vld.idx.msk [tilespmem:v5+s4+$0x0], $0xffff;
	_ =	sdelay $0x4  }
0xba: {  	v2 =	vor.u32 $0x2, v2;
	v3 =	vmul.f32 v3, v4;
	_ =	sdelay $0x1  }
0xbb: {  	v3 =	vmax.f32 v3, $-1.000000000e+02  }
0xbc: {  	v3 =	vmin.f32 v3, $1.000000000e+02  }
0xbd: {  	[tilespmem:v5+s4+$0x0] =	vst.idx.msk $0xffff, v3  }
0xbe: {  	v3 =	vld.idx.msk [tilespmem:v2+s4+$0x0], $0xffff;
	_ =	sdelay $0x4  }
0xbf: {  	v3 =	vmul.f32 v3, v4;
	_ =	sdelay $0x1  }
0xc0: {  	v3 =	vmax.f32 v3, $-1.000000000e+02  }
0xc1: {  	v3 =	vmin.f32 v3, $1.000000000e+02  }
0xc2: {  	[tilespmem:v2+s4+$0x0] =	vst.idx.msk $0xffff, v3  }
0xc3: {  	[spmem:s5] =	stream.indirect.scatter.add.f32 [tilespmem:s7], [sflag:$0x1], $0x80, s13, s14, $0xb8;
	[tilespmem:$0x195F0] =	vst v63  }
0xc4: {  	s17 =	sadd.s32 $0x1, s17;
	_ =	swait.ge [sflag:s31], $0x2800  }
0xc5: {  	p0 =	sne.s32 s17, $0x7D;
	[sflag:s31] =	ssyncset.done $0x0  }
.Ltmp2:
0xc6: {  	[sflag:s31] =	ssyncadd.s32 $0xFFFFD800;
	(pc) =	sbr.rel @p0 .LBB2_4-.Ltmp2, $4  }
0xc7: {  	[spmem:s6] =	stream.indirect.scatter.add.f32 [tilespmem:s4], [sflag:$0x1], $0x10, s1, s14, $0xb8;
	[tilespmem:$0x195F0] =	vst v63  }
0xc8: {  	_ =	swait.ge [sflag:s31], $0x500  }
0xc9: {  	[sflag:s31] =	ssyncset.done $0x0  }
0xca: {  	[sflag:s31] =	ssyncadd.s32 $0xFFFFFB00  }
0xcb: {  	s16 =	stileid.u32  }
0xcc: {  	s16 =	sshll.u32 s16, $0x6  }
0xcd: {  	[bflag:$0x0] =	sbarrier.arrive $0xFFFF;
	s17 =	sshrl.u32 s11, $0x3;
	s16 =	sor.u32 $0x1C01, s16  }
0xce: {  	[hbm:s29], [sflag:s16] =	dma.local [spmem:s17], $0x2800  }
0xcf: {  	s15 =	sadd.s32 $0x1, s15;
	_ =	swait.ge [sflag:s31], $0x2800  }
0xd0: {  	s21 =	sshrl.u32 s12, $0x3;
	p0 =	sne.s32 s15, s30;
	[sflag:s31] =	ssyncset.done $0x0  }
.Ltmp3:
0xd1: {  	s18 =	rddreg [dreg:$0xe];
	[sflag:s31] =	ssyncadd.s32 $0xFFFFD800;
	(pc) =	sbr.rel @p0 .LBB2_1-.Ltmp3, $4  }
0xd2: {  	[hbm:s18], [sflag:s16] =	dma.local [spmem:s21], $0x500  }
0xd3: {  	_ =	swait.ge [sflag:s31], $0x500  }
0xd4: {  	[sflag:s31] =	ssyncset.done $0x0  }
0xd5: {  	[sflag:s31] =	ssyncadd.s32 $0xFFFFFB00  }
0xd6: {  	_ =	sfence.sel $0x180000  }
0xd7: {  	[bflag:$0x0] =	sbarrier.arrive $0xFFFF  }
0xd8: {  	_ =	strace $0x9000004A  }
0xd9: {  	s0 =	stileid.u32;
	[bflag:$0x2] =	sbarrier.arrive $0xFFFF  }
0xda: {  	p0 =	sne.s32 s0, $0x0;
	s0 =	rddreg [dreg:$0x7]  }
0xdb: {  	s0 =	sadd.s32 @!p0 $0x100000, s0  }
0xdc: {  	[sflag:s0] =	ssyncadd.tile.s32 @!p0 $0x1;
	_ =	shalt  }
.Lfunc_end2:
_tile_overlayer_lowered:
.L_overlay_start_2:
0xdd: {  	(tag) =	ssettag $0x2  }
0xde: {  	s0 =	rddreg [dreg:$0x0];
	s2 =	stileid.u32  }
0xdf: {  	s1 =	rddreg [dreg:$0x1];
	p0 =	sne.s32 s2, $0x0  }
0xe0: {  	s3 =	rddreg [dreg:$0x2];
	[bflag:$0x3] =	sbarrier.arrive $0xFFFF;
	s2 =	simm.s32 @!p0 $0x1C01  }
0xe1: {  	[timem:s3], [sflag:s2] =	dma.local @!p0 [hbm:s0], s1  }
0xe2: {  	s0 =	simm.s32 @!p0 $0x1  }
0xe3: {  	_ =	swait.ge @!p0 [sflag:s0], s1  }
0xe4: {  	s1 =	ssub.s32 @!p0 $0x0, s1;
	[sflag:s0] =	ssyncset.done @!p0 $0x0  }
0xe5: {  	[sflag:s0] =	ssyncadd.s32 @!p0 s1  }
0xe6: {  	[bflag:$0x3] =	sbarrier.arrive $0xFFFF  }
0xe7: {  	_ =	shalt  }

// kernel: kernel.7.cloned.1.call-start
scs
__scs_entry_jumppad:
0x0: {  	(pc) =	sbr.rel $0x88, $3  }
0x1: {  	(tag) =	ssettag $0x0;
	lr =	simm.s32 $0x1  }
0x2: {  	[smem:$0x3F90] =	sst lr;
	_ =	strace $0xD0000000  }
0x3: {  	_ = 	snop  }
0x4: {  	_ = 	snop  }
0x5: {  	_ = 	snop  }
0x6: {  	_ = 	snop  }
0x7: {  	_ = 	snop  }
__scs_overlays_trampoline_lowered:
0x8: {  	[smem:$0x3F9F] =	sst s0  }
0x9: {  	[smem:$0x3FA0] =	sst s1  }
0xa: {  	[smem:$0x3FA1] =	sst s2  }
0xb: {  	[smem:$0x3FA2] =	sst s3  }
0xc: {  	[smem:$0x3FA3] =	sst s4  }
0xd: {  	[smem:$0x3FA4] =	sst s5  }
0xe: {  	[smem:$0x3FA5] =	sst s6  }
0xf: {  	[smem:$0x3FA6] =	sst s7  }
0x10: {  	[smem:$0x3FA7] =	sst s8  }
0x11: {  	[smem:$0x3FA8] =	sst s9;
	s0 =	simm.s32 @!p0 $0x0  }
0x12: {  	s1 =	sld [smem:$0x3F8E];
	s0 =	simm.s32 @p0 $0x1  }
0x13: {  	[smem:$0x3FA9] =	sst s0;
	s0 =	simm.s32 @!p1 $0x0  }
0x14: {  	s2 =	sld [smem:$0x3F8D];
	s0 =	simm.s32 @p1 $0x1  }
0x15: {  	[smem:$0x3FAA] =	sst s0;
	s0 =	simm.s32 @!p2 $0x0  }
0x16: {  	s3 =	sld [smem:$0x3FDB];
	s0 =	simm.s32 @p2 $0x1  }
0x17: {  	s4 =	simm.s32 $0x1BF5;
	[smem:$0x3FAC] =	sst s0  }
0x18: {  	s0 =	sld [smem:$0x3F8F];
	_ =	swait.ge [sflag:s4], $0x0  }
0x19: {  	s7 =	sld [smem:$0x3F90]  }
0x1a: {  	s8 =	sadd.s32 $0xFFFFE003, lr  }
0x1b: {  	s9 =	sadd.s32 $0xFFFFFEF7, lr;
	s5 =	simm.s32 $0xFFFFFFFF;
	p2 =	slt.u32 s8, $0xFFFFF086  }
0x1c: {  	p1 =	slt.u32 s9, $0xF7A;
	s5 =	simm.s32 @!p2 $0x0  }
0x1d: {  	s5 =	simm.s32 @p1 $0x1;
	p0 =	seq.s32 s7, s2  }
0x1e: {  	s7 =	smul.u32 @!p0 $0xF7A, s2;
	p2 =	seq.s32 @!p0 s5, $0x0  }
0x1f: {  	s9 =	smul.u32 $0xF7A, s1;
	s8 =	simm.s32 @!p0 $0x1BF5;
	p2 =	por !p2, p0  }
0x20: {  	[sflag:s8] =	ssyncset.s32 @!p0 $0xFFFFF086;
	s6 =	sadd.s32 @!p0 s3, s7;
	s7 =	simm.s32 @!p0 $0x108  }
0x21: {  	s3 =	sadd.s32 s3, s9;
	s6 =	sadd.s32 @!p0 $0x88, s6;
	s7 =	simm.s32 @p2 $0x1082  }
0x22: {  	[simem:s7], [sflag:s8] =	dma.local @!p0 [hbm:s6], $0xF7A  }
0x23: {  	s9 =	sor.u32 $0xD0000000, s2;
	s6 =	simm.s32 $0x108;
	_ =	swait.ge @!p0 [sflag:s8], $0x0  }
0x24: {  	s3 =	sadd.s32 $0x88, s3;
	s6 =	simm.s32 @!p1 $0x1082;
	[sflag:s4] =	ssyncset.s32 $0xFFFFF086  }
0x25: {  	[simem:s6], [sflag:s4] =	dma.local [hbm:s3], $0xF7A  }
0x26: {  	[smem:$0x3F90] =	sst s1;
	(tag) =	ssettag s2;
	_ =	strace s9  }
0x27: {  	s1 =	sld [smem:$0x3FA0]  }
0x28: {  	s2 =	sld [smem:$0x3FA1]  }
0x29: {  	s4 =	sld [smem:$0x3FA3]  }
0x2a: {  	p0 =	seq.s32 s5, $0x0;
	s5 =	sld [smem:$0x3FA4]  }
0x2b: {  	s6 =	sld [smem:$0x3FA5]  }
0x2c: {  	s7 =	sld [smem:$0x3FA6]  }
0x2d: {  	s3 =	simm.s32 $0x108;
	s8 =	sld [smem:$0x3FA7]  }
0x2e: {  	s3 =	simm.s32 @!p0 $0x1082;
	s9 =	sld [smem:$0x3FA8]  }
0x2f: {  	lr =	sadd.s32 s0, s3;
	s0 =	sld [smem:$0x3F9F]  }
0x30: {  	s3 =	sld [smem:$0x3FA2]  }
0x31: {  	[smem:$0x3FAB] =	sst s10  }
0x32: {  	s10 =	sld [smem:$0x3FA9];
	_ =	sdelay $0x3  }
0x33: {  	p0 =	seq.s32 s10, $0x1;
	s10 =	sld [smem:$0x3FAB];
	_ =	sdelay $0x3  }
0x34: {  	[smem:$0x3FAB] =	sst s10  }
0x35: {  	s10 =	sld [smem:$0x3FAA];
	_ =	sdelay $0x3  }
0x36: {  	p1 =	seq.s32 s10, $0x1;
	s10 =	sld [smem:$0x3FAB];
	_ =	sdelay $0x3  }
0x37: {  	[smem:$0x3FAB] =	sst s10  }
0x38: {  	s10 =	sld [smem:$0x3FAC]  }
0x39: {  	_ = 	snop;
	(pc) =	sbr.ind lr, $3  }
0x3a: {  	_ = 	snop  }
0x3b: {  	_ = 	snop  }
0x3c: {  	p2 =	seq.s32 s10, $0x1;
	s10 =	sld [smem:$0x3FAB]  }
0x3d: {  	_ =	shalt  }
0x3e: {  	_ =	shalt  }
0x3f: {  	_ =	shalt  }
0x40: {  	_ =	shalt  }
0x41: {  	_ =	shalt  }
0x42: {  	_ =	shalt  }
0x43: {  	_ =	shalt  }
0x44: {  	_ =	shalt  }
0x45: {  	_ =	shalt  }
0x46: {  	_ =	shalt  }
0x47: {  	_ =	shalt  }
0x48: {  	_ =	shalt  }
0x49: {  	_ =	shalt  }
0x4a: {  	_ =	shalt  }
0x4b: {  	_ =	shalt  }
0x4c: {  	_ =	shalt  }
0x4d: {  	_ =	shalt  }
0x4e: {  	_ =	shalt  }
0x4f: {  	_ =	shalt  }
0x50: {  	_ =	shalt  }
0x51: {  	_ =	shalt  }
0x52: {  	_ =	shalt  }
0x53: {  	_ =	shalt  }
0x54: {  	_ =	shalt  }
0x55: {  	_ =	shalt  }
0x56: {  	_ =	shalt  }
0x57: {  	_ =	shalt  }
0x58: {  	_ =	shalt  }
0x59: {  	_ =	shalt  }
0x5a: {  	_ =	shalt  }
0x5b: {  	_ =	shalt  }
0x5c: {  	_ =	shalt  }
0x5d: {  	_ =	shalt  }
0x5e: {  	_ =	shalt  }
0x5f: {  	_ =	shalt  }
0x60: {  	_ =	shalt  }
0x61: {  	_ =	shalt  }
0x62: {  	_ =	shalt  }
0x63: {  	_ =	shalt  }
0x64: {  	_ =	shalt  }
0x65: {  	_ =	shalt  }
0x66: {  	_ =	shalt  }
0x67: {  	_ =	shalt  }
0x68: {  	_ =	shalt  }
0x69: {  	_ =	shalt  }
0x6a: {  	_ =	shalt  }
0x6b: {  	_ =	shalt  }
0x6c: {  	_ =	shalt  }
0x6d: {  	_ =	shalt  }
0x6e: {  	_ =	shalt  }
0x6f: {  	_ =	shalt  }
0x70: {  	_ =	shalt  }
0x71: {  	_ =	shalt  }
0x72: {  	_ =	shalt  }
0x73: {  	_ =	shalt  }
0x74: {  	_ =	shalt  }
0x75: {  	_ =	shalt  }
0x76: {  	_ =	shalt  }
0x77: {  	_ =	shalt  }
0x78: {  	_ =	shalt  }
0x79: {  	_ =	shalt  }
0x7a: {  	_ =	shalt  }
0x7b: {  	_ =	shalt  }
0x7c: {  	_ =	shalt  }
0x7d: {  	_ =	shalt  }
0x7e: {  	_ =	shalt  }
0x7f: {  	_ =	shalt  }
0x80: {  	_ =	shalt  }
0x81: {  	_ =	shalt  }
0x82: {  	_ =	shalt  }
0x83: {  	_ =	shalt  }
0x84: {  	_ =	shalt  }
0x85: {  	_ =	shalt  }
0x86: {  	_ =	shalt  }
0x87: {  	_ =	shalt  }
.Lfunc_end0:
.L_simem_size_0:
called_computation_lowered:
.L_overlay_start_0:
0x88: {  	s2 =	sld [smem:$0x3FD9]  }
0x89: {  	s3 =	sld [smem:$0x3FFE];
	_ =	sdelay $0x1  }
0x8a: {  	s1 =	srdreg.scid  }
0x8b: {  	s0 =	sand.u32 $0x1, s1  }
0x8c: {  	s14 =	sshll.u32 s0, $0xA;
	s2 =	sadd.s32 s3, s2  }
0x8d: {  	s2 =	sadd.s32 s2, s14  }
0x8e: {  	[smem:$0x3FB7] =	sst s2  }
0x8f: {  	_ = 	snop  }
0x90: {  	s2 =	sld [smem:$0x3FD0];
	_ =	sdelay $0x1  }
0x91: {  	s15 =	sld [smem:$0x3FC7]  }
0x92: {  	s5 =	simm.s32 $0xA;
	s6 =	simm.s32 $0x10;
	s4 =	sld [smem:$0x3FC6]  }
0x93: {  	[smem:s6], [sflag:s5] =	dma.local [hbm:s2], $0x1  }
0x94: {  	_ =	swait.eq [sflag:s5], $0x1  }
0x95: {  	s16 =	sld [smem:$0x10];
	[sflag:s5] =	ssyncset.done $0x0  }
0x96: {  	s17 =	sld [smem:$0x11];
	[sflag:s5] =	ssyncadd.s32 $0xFFFFFFFF  }
0x97: {  	s18 =	sld [smem:$0x12];
	(tm) =	ssettm $0x1  }
0x98: {  	s7 =	sld [smem:$0x3FFB];
	_ =	sdelay $0x3  }
0x99: {  	_ =	strace s7  }
0x9a: {  	s7 =	sld [smem:$0x3FFC];
	_ =	sdelay $0x3  }
0x9b: {  	_ =	strace s7  }
0x9c: {  	s7 =	sld [smem:$0x3FFD];
	_ =	sdelay $0x3  }
0x9d: {  	_ =	strace s7  }
0x9e: {  	_ =	strace $0x8FFFFFFF  }
0x9f: {  	s19 =	sld [smem:$0x3FDB];
	_ =	sdelay $0x1  }
0xa0: {  	s8 =	simm.s32 $_scs_section_size  }
0xa1: {  	s9 =	simm.s32 $_size__tile_overlayer_lowered;
	s10 =	simm.s32 $_tile_overlayer_lowered  }
0xa2: {  	s22 =	simm.s32 $0x1BFF;
	s21 =	sshll.u32 s10, $0x1;
	s7 =	sadd.s32 s8, s19  }
0xa3: {  	s11 =	simm.s32 $0x0;
	s20 =	sshll.u32 s9, $0x1;
	s9 =	sadd.s32 s21, s7  }
0xa4: {  	[timem:s11], [sflag:s22] =	dma.local [hbm:s9], s20  }
0xa5: {  	_ =	swait.ge [sflag:s22], s20  }
0xa6: {  	s8 =	ssub.s32 $0x0, s20;
	[sflag:s22] =	ssyncset.done $0x0  }
0xa7: {  	[sflag:s22] =	ssyncadd.s32 s8;
	_ =	sdelay $0x1  }
0xa8: {  	s23 =	simm.s32 $0x1B8B  }
0xa9: {  	_ =	swait.ge [sflag:s23], $0x1  }
0xaa: {  	[sflag:s23] =	ssyncset.done $0x0  }
0xab: {  	s25 =	simm.s32 $0x1B8E;
	s24 =	sld [smem:$0x3FFE];
	[sflag:s23] =	ssyncadd.s32 $0xFFFFFFFF  }
0xac: {  	s26 =	simm.s32 $execute0_lowered;
	[smem:$0x3FD2] =	sst s25  }
0xad: {  	s9 =	sshll.u32 s26, $0x1;
	_ =	strace $0x80000046;
	[dreg:$0x1] =	wrdreg $0xFFFFFFFF  }
0xae: {  	s28 =	simm.s32 $_size_execute0_lowered;
	s7 =	sadd.s32 s7, s9;
	[dreg:$0x0] =	wrdreg $0x0  }
0xaf: {  	s9 =	sshll.u32 s28, $0x1;
	[dreg:$0x2] =	wrdreg s7  }
0xb0: {  	[dreg:$0x3] =	wrdreg s9  }
0xb1: {  	[dreg:$0x4] =	wrdreg $0xC0  }
0xb2: {  	_ =	task [dreg:s11], $0x5FFFF  }
0xb3: {  	[dreg:$0x1] =	wrdreg $0xFFFFFFFF  }
0xb4: {  	[dreg:$0x0] =	wrdreg $0x60  }
0xb5: {  	[dreg:$0x2] =	wrdreg s16  }
0xb6: {  	[dreg:$0x3] =	wrdreg s17  }
0xb7: {  	[dreg:$0x4] =	wrdreg s15  }
0xb8: {  	[dreg:$0x5] =	wrdreg s4  }
0xb9: {  	[dreg:$0x6] =	wrdreg s24  }
0xba: {  	[dreg:$0x7] =	wrdreg s18  }
0xbb: {  	[dreg:$0x8] =	wrdreg $0x9  }
0xbc: {  	_ =	task.clear_ibuf [dreg:s11], $0x9FFFF;
	_ =	strace $0x90000046  }
0xbd: {  	s29 =	simm.s32 $0x9;
	_ =	strace $0x80000048  }
0xbe: {  	_ =	swait.ge [sflag:s29], $0x1  }
0xbf: {  	[sflag:s29] =	ssyncadd.s32 $0xFFFFFFFF  }
0xc0: {  	_ =	strace $0x90000048  }
0xc1: {  	_ =	sfence  }
0xc2: {  	s30 =	sld [smem:$0x0];
	_ =	sdelay $0x2  }
0xc3: {  	s31 =	sshll.u32 s1, $0xD;
	s1 =	sshrl.u32 s1, $0x2  }
0xc4: {  	s3 =	sand.u32 $0x4000, s31;
	s1 =	sadd.s32 s1, s30  }
0xc5: {  	s0 =	sor.u32 s3, s0;
	s1 =	sshll.u32 s1, $0x11  }
0xc6: {  	s0 =	sor.u32 s1, s0  }
0xc7: {  	s0 =	sadd.s32 $0x8F2B, s0  }
0xc8: {  	[sflag:s0] =	ssyncadd.remote.s32 $0x1  }
0xc9: {  	_ =	sfence.sel $0xFFFF  }
0xca: {  	[dreg:$0x0] =	wrdreg $0xFFFFFFFF;
	(pc) =	sbr.abs _section_cstart, $3  }
0xcb: {  	[dreg:$0x1] =	wrdreg $0xFFFFFFFF  }
0xcc: {  	_ =	task.clear_ibuf [dreg:s11], $0x2FFFF;
	_ =	strace $0x9FFFFFFF  }
0xcd: {  	(tm) =	ssettm $0x7FFFFFFF  }
tec
execute0_lowered:
.L_overlay_start_1:
0x0: {  	(tag) =	ssettag $0x1  }
0x1: {  	s1 =	rddreg [dreg:$0x0]  }
0x2: {  	s2 =	rddreg [dreg:$0x1]  }
0x3: {  	s3 =	rddreg [dreg:$0x2]  }
0x4: {  	s4 =	rddreg [dreg:$0x3]  }
0x5: {  	s11 =	rddreg [dreg:$0x4]  }
0x6: {  	s5 =	rddreg [dreg:$0x5]  }
0x7: {  	s0 =	rddreg [dreg:$0x6]  }
0x8: {  	s6 =	simm.s32 $0x0;
	s7 =	srdreg.scid;
	s16 =	simm.s32 $0x7CB0  }
0x9: {  	s17 =	simm.s32 $0xA3C0;
	s18 =	simm.s32 $0x5000;
	s19 =	simm.s32 $0x5050  }
0xa: {  	s20 =	simm.s32 $0x50;
	s21 =	simm.s32 $0x2800;
	s22 =	simm.s32 $0x50A0  }
0xb: {  	s23 =	simm.s32 $0x0;
	[smem:$0x7FF] =	sst s6;
	s8 =	sadd.s32 $0x4E00, s11  }
0xc: {  	s12 =	sand.u32 $0x1, s7;
	s9 =	sadd.s32 $0x4800, s11;
	s7 =	stileid.u32  }
0xd: {  	s10 =	sadd.s32 $0x5400, s11;
	s11 =	sadd.s32 $0x4E7400, s11;
	s13 =	ssub.s32 $0x2, s12  }
0xe: {  	_ =	strace $0x80000047;
	s15 =	sshll.u32 s7, $0x1;
	s14 =	sshrl.u32 s13, $0x1  }
0xf: {  	v1 =	vlaneseq.u32;
	s12 =	sor.u32 s12, s15;
	s15 =	simm.s32 $0x1;
	s13 =	ssub.s32 s13, s14  }
0x10: {  	v0 =	vimm.f32 $0.0e+00;
	v1 =	vmul.u32 $0x10, v1;
	s12 =	smul.u32 $0x2710, s12;
	s14 =	simm.s32 $0x55A0;
	s13 =	smax.u32 s13, $0x1  }
.LBB2_1:
0x11: {  	s24 =	simm.s32 $0x40;
	s25 =	simm.s32 $0x0  }
.LBB2_2:
0x12: {  	p0 =	sne.s32 s24, $0x13C0;
	[tilespmem:s25+$0x50A0] =	vst v0;
	s25 =	smov.u32 s24;
	s24 =	sadd.s32 $0x40, s24  }
.Ltmp0:
0x13: {  	(pc) =	sbr.rel @p0 .LBB2_2-.Ltmp0, $2  }
0x14: {  	_ =	sdelay $0x2  }
0x15: {  	s25 =	sshra.s32 s25, $0x2  }
0x16: {  	[tilespmem:s25+$0x50A0] =	vst v0;
	s24 =	simm.s32 $0x0  }
0x17: {  	[tilespmem:s14], [sflag:$0x1] =	stream.linear.gather [hbm4b:s8+s24], $0x2710, $0x38;
	[tilespmem:$0xCAD0] =	vst v63  }
0x18: {  	_ =	swait.ge [sflag:s15], $0x2710  }
0x19: {  	[sflag:s15] =	ssyncset.done $0x0  }
0x1a: {  	[sflag:s15] =	ssyncadd.s32 $0xFFFFD8F0  }
0x1b: {  	[tilespmem:s16], [sflag:$0x1] =	stream.linear.gather [hbm4b:s9+s24], $0x2710, $0x38;
	[tilespmem:$0xCAD0] =	vst v63  }
0x1c: {  	_ =	swait.ge [sflag:s15], $0x2710  }
0x1d: {  	[sflag:s15] =	ssyncset.done $0x0  }
0x1e: {  	[sflag:s15] =	ssyncadd.s32 $0xFFFFD8F0  }
0x1f: {  	[tilespmem:s17], [sflag:$0x1] =	stream.linear.gather [hbm4b:s5+s24], $0x2710, $0x38;
	[tilespmem:$0xCAD0] =	vst v63  }
0x20: {  	_ =	swait.ge [sflag:s15], $0x2710  }
0x21: {  	[sflag:s15] =	ssyncset.done $0x0  }
0x22: {  	s25 =	simm.s32 $0x0;
	[sflag:s15] =	ssyncadd.s32 $0xFFFFD8F0  }
.LBB2_4:
0x23: {  	s26 =	smul.u32 $0x50, s25;
	_ =	sdelay $0x1  }
0x24: {  	s26 =	sadd.s32 s12, s26  }
0x25: {  	s28 =	sshrl.u32 s26, $0x3  }
0x26: {  	s29 =	sadd.s32 s3, s28  }
0x27: {  	[tilespmem:s18], [sflag:$0x1] =	stream.linear.gather [hbm4b:s29+s24], $0x50, $0x38;
	[tilespmem:$0xCAD0] =	vst v63  }
0x28: {  	_ =	swait.ge [sflag:s15], $0x50  }
0x29: {  	[sflag:s15] =	ssyncset.done $0x0  }
0x2a: {  	s28 =	sadd.s32 s4, s28;
	[sflag:s15] =	ssyncadd.s32 $0xFFFFFFB0  }
0x2b: {  	[tilespmem:s19], [sflag:$0x1] =	stream.linear.gather [hbm4b:s28+s24], $0x50, $0x38;
	[tilespmem:$0xCAD0] =	vst v63  }
0x2c: {  	_ =	swait.ge [sflag:s15], $0x50  }
0x2d: {  	[sflag:s15] =	ssyncset.done $0x0  }
0x2e: {  	[sflag:s15] =	ssyncadd.s32 $0xFFFFFFB0  }
0x2f: {  	[tilespmem:s24], [sflag:$0x1] =	stream.indirect.gather [hbm4b:s1+s20], $0x80, s18, s20, $0xb8;
	[tilespmem:$0xCAD0] =	vst v63  }
0x30: {  	_ =	swait.ge [sflag:s15], $0x2800  }
0x31: {  	[sflag:s15] =	ssyncset.done $0x0  }
0x32: {  	[sflag:s15] =	ssyncadd.s32 $0xFFFFD800  }
0x33: {  	[tilespmem:s21], [sflag:$0x1] =	stream.indirect.gather [hbm4b:s2+s20], $0x80, s19, s20, $0xb8;
	[tilespmem:$0xCAD0] =	vst v63  }
0x34: {  	_ =	swait.ge [sflag:s15], $0x2800  }
0x35: {  	[sflag:s15] =	ssyncset.done $0x0  }
0x36: {  	s29 =	simm.s32 $0x200;
	s28 =	simm.s32 $0x0;
	[sflag:s15] =	ssyncadd.s32 $0xFFFFD800  }
.LBB2_5:
0x37: {  	p0 =	sne.s32 s29, $0x9E00;
	v2 =	vld [tilespmem:s28+$0x2870]  }
0x38: {  	v3 =	vld [tilespmem:s28+$0x2800]  }
0x39: {  	v4 =	vld [tilespmem:s28+$0x2810]  }
0x3a: {  	v5 =	vld [tilespmem:s28+$0x2820]  }
0x3b: {  	v6 =	vld [tilespmem:s28+$0x2830]  }
0x3c: {  	[tilespmem:s28+$0x70] =	vst.add.f32.msk $0xffff, v2  }
0x3d: {  	v2 =	vld [tilespmem:s28+$0x2840]  }
0x3e: {  	v7 =	vld [tilespmem:s28+$0x2850]  }
0x3f: {  	v8 =	vld [tilespmem:s28+$0x2860]  }
0x40: {  	[tilespmem:s28+$0x0] =	vst.add.f32.msk $0xffff, v3  }
0x41: {  	[tilespmem:s28+$0x10] =	vst.add.f32.msk $0xffff, v4  }
.Ltmp1:
0x42: {  	[tilespmem:s28+$0x20] =	vst.add.f32.msk $0xffff, v5;
	(pc) =	sbr.rel @p0 .LBB2_5-.Ltmp1, $4  }
0x43: {  	[tilespmem:s28+$0x30] =	vst.add.f32.msk $0xffff, v6  }
0x44: {  	[tilespmem:s28+$0x40] =	vst.add.f32.msk $0xffff, v2  }
0x45: {  	[tilespmem:s28+$0x50] =	vst.add.f32.msk $0xffff, v7  }
0x46: {  	[tilespmem:s28+$0x60] =	vst.add.f32.msk $0xffff, v8;
	s28 =	sshra.s32 s29, $0x2;
	s29 =	sadd.s32 $0x200, s29  }
0x47: {  	v2 =	vld [tilespmem:s28+$0x2870]  }
0x48: {  	v3 =	vld [tilespmem:s28+$0x2800]  }
0x49: {  	v4 =	vld [tilespmem:s28+$0x2810]  }
0x4a: {  	v5 =	vld [tilespmem:s28+$0x2820]  }
0x4b: {  	v6 =	vld [tilespmem:s28+$0x2830]  }
0x4c: {  	v7 =	vld [tilespmem:s28+$0x2850]  }
0x4d: {  	v8 =	vld [tilespmem:s28+$0x2860]  }
0x4e: {  	[tilespmem:s28+$0x70] =	vst.add.f32.msk $0xffff, v2  }
0x4f: {  	v2 =	vld [tilespmem:s28+$0x2840]  }
0x50: {  	[tilespmem:s28+$0x0] =	vst.add.f32.msk $0xffff, v3  }
0x51: {  	[tilespmem:s28+$0x10] =	vst.add.f32.msk $0xffff, v4  }
0x52: {  	[tilespmem:s28+$0x20] =	vst.add.f32.msk $0xffff, v5  }
0x53: {  	[tilespmem:s28+$0x30] =	vst.add.f32.msk $0xffff, v6  }
0x54: {  	[tilespmem:s28+$0x50] =	vst.add.f32.msk $0xffff, v7  }
0x55: {  	[tilespmem:s28+$0x60] =	vst.add.f32.msk $0xffff, v8  }
0x56: {  	[tilespmem:s28+$0x40] =	vst.add.f32.msk $0xffff, v2;
	s28 =	simm.s32 $0x5000  }
0x57: {  	v2 =	vld [tilespmem:s28+$0x0];
	_ =	sdelay $0x1  }
0x58: {  	s29 =	simm.s32 $0x5050  }
0x59: {  	v3 =	vld [tilespmem:s29+$0x0];
	_ =	sdelay $0x4  }
0x5a: {  	v4 =	vld.idx.msk [tilespmem:v2+s17+$0x0], $0xffff  }
0x5b: {  	v5 =	vld.idx.msk [tilespmem:v2+s14+$0x0], $0xffff  }
0x5c: {  	v2 =	vld.idx.msk [tilespmem:v2+s16+$0x0], $0xffff  }
0x5d: {  	s30 =	simm.s32 $0x0;
	v6 =	vld.idx.msk [tilespmem:v3+s14+$0x0], $0xffff  }
0x5e: {  	v7 =	vmov s30;
	v8 =	vld.idx.msk [tilespmem:v3+s16+$0x0], $0xffff  }
0x5f: {  	v7 =	vshll.u32 v7, $0x4;
	v3 =	vld.idx.msk [tilespmem:v3+s17+$0x0], $0xffff  }
0x60: {  	v7 =	vor.u32 v1, v7  }
0x61: {  	v9 =	vor.u32 $0x1, v7  }
0x62: {  	v10 =	vor.u32 $0x2, v7  }
0x63: {  	v5 =	vsub.f32 v5, v6;
	v2 =	vsub.f32 v2, v8  }
0x64: {  	v4 =	vsub.f32 v4, v3  }
0x65: {  	v6 =	vmul.f32 v5, v5;
	[tilespmem:v7+s22+$0x0] =	vst.idx.msk $0xffff, v5;
	v5 =	vmul.f32 v2, v2  }
0x66: {  	[tilespmem:v9+s22+$0x0] =	vst.idx.msk $0xffff, v2;
	v2 =	vor.u32 $0x3, v7  }
0x67: {  	s30 =	simm.s32 $0x10;
	v3 =	vmul.f32 v4, v4;
	[tilespmem:v10+s22+$0x0] =	vst.idx.msk $0xffff, v4;
	v4 =	vadd.f32 v5, v6  }
.LBB2_7:
0x68: {  	p0 =	sne.s32 s30, $0x40;
	s28 =	sadd.s32 $0x10, s28;
	s29 =	sadd.s32 $0x10, s29  }
0x69: {  	s31 =	smov.u32 s30;
	s30 =	sadd.s32 $0x10, s30;
	v3 =	vadd.f32 v3, v4;
	_ =	sdelay $0x1  }
0x6a: {  	[tilespmem:v2+s22+$0x0] =	vst.idx.msk $0xffff, v3  }
0x6b: {  	v2 =	vld [tilespmem:s28+$0x0]  }
0x6c: {  	v3 =	vld [tilespmem:s29+$0x0];
	_ =	sdelay $0x6  }
0x6d: {  	v4 =	vld.idx.msk [tilespmem:v2+s17+$0x0], $0xffff  }
0x6e: {  	v5 =	vld.idx.msk [tilespmem:v2+s14+$0x0], $0xffff  }
0x6f: {  	v2 =	vld.idx.msk [tilespmem:v2+s16+$0x0], $0xffff  }
0x70: {  	v6 =	vld.idx.msk [tilespmem:v3+s14+$0x0], $0xffff  }
0x71: {  	v7 =	vmov s31;
	v8 =	vld.idx.msk [tilespmem:v3+s16+$0x0], $0xffff  }
0x72: {  	v7 =	vshll.u32 v7, $0x4;
	v3 =	vld.idx.msk [tilespmem:v3+s17+$0x0], $0xffff  }
0x73: {  	v7 =	vor.u32 v1, v7  }
0x74: {  	v9 =	vor.u32 $0x1, v7  }
0x75: {  	v10 =	vor.u32 $0x2, v7  }
0x76: {  	v5 =	vsub.f32 v5, v6  }
.Ltmp2:
0x77: {  	v2 =	vsub.f32 v2, v8;
	(pc) =	sbr.rel @p0 .LBB2_7-.Ltmp2, $4  }
0x78: {  	v4 =	vsub.f32 v4, v3;
	v6 =	vmul.f32 v5, v5;
	[tilespmem:v7+s22+$0x0] =	vst.idx.msk $0xffff, v5  }
0x79: {  	v5 =	vmul.f32 v2, v2;
	[tilespmem:v9+s22+$0x0] =	vst.idx.msk $0xffff, v2;
	v2 =	vor.u32 $0x3, v7  }
0x7a: {  	v3 =	vmul.f32 v4, v4;
	[tilespmem:v10+s22+$0x0] =	vst.idx.msk $0xffff, v4  }
0x7b: {  	v4 =	vadd.f32 v5, v6  }
0x7c: {  	_ =	sdelay $0x1  }
0x7d: {  	v3 =	vadd.f32 v3, v4  }
0x7e: {  	s28 =	sshll.u32 s26, $0x4  }
0x7f: {  	s28 =	sadd.s32 s10, s28;
	[tilespmem:v2+s22+$0x0] =	vst.idx.msk $0xffff, v3  }
0x80: {  	[hbm4b:s28+s6] =	stream.linear.scatter [tilespmem:s6], [sflag:$0x1], $0x2800, $0x38;
	[tilespmem:$0xCAD0] =	vst v63  }
0x81: {  	s25 =	sadd.s32 $0x1, s25;
	_ =	swait.ge [sflag:s15], $0x2800  }
0x82: {  	s31 =	sshll.u32 s26, $0x1;
	p0 =	sne.s32 s25, $0x7D;
	[sflag:s15] =	ssyncset.done $0x0  }
.Ltmp3:
0x83: {  	s26 =	sadd.s32 s11, s31;
	[sflag:s15] =	ssyncadd.s32 $0xFFFFD800;
	(pc) =	sbr.rel @p0 .LBB2_4-.Ltmp3, $4  }
0x84: {  	[hbm4b:s26+s6] =	stream.linear.scatter [tilespmem:s22], [sflag:$0x1], $0x500, $0x38;
	[tilespmem:$0xCAD0] =	vst v63  }
0x85: {  	_ =	swait.ge [sflag:s15], $0x500  }
0x86: {  	[sflag:s15] =	ssyncset.done $0x0  }
0x87: {  	[sflag:s15] =	ssyncadd.s32 $0xFFFFFB00  }
0x88: {  	s23 =	sadd.s32 $0x1, s23  }
0x89: {  	p0 =	sne.s32 s23, s13  }
.Ltmp4:
0x8a: {  	_ = 	snop;
	(pc) =	sbr.rel @p0 .LBB2_1-.Ltmp4, $1  }
0x8b: {  	_ =	sdelay $0x3  }
0x8c: {  	_ =	sfence.sel $0x180000  }
0x8d: {  	[bflag:$0x0] =	sbarrier.arrive $0xFFFF  }
0x8e: {  	p0 =	sne.s32 s7, $0x0;
	_ =	strace $0x90000047  }
0x8f: {  	s0 =	sadd.s32 @!p0 $0x100000, s0;
	[bflag:$0x2] =	sbarrier.arrive $0xFFFF  }
0x90: {  	[sflag:s0] =	ssyncadd.tile.s32 @!p0 $0x1;
	_ =	shalt  }
.Lfunc_end2:
_tile_overlayer_lowered:
.L_overlay_start_2:
0x91: {  	(tag) =	ssettag $0x2  }
0x92: {  	s0 =	rddreg [dreg:$0x0];
	s2 =	stileid.u32  }
0x93: {  	s1 =	rddreg [dreg:$0x1];
	p0 =	sne.s32 s2, $0x0  }
0x94: {  	s3 =	rddreg [dreg:$0x2];
	[bflag:$0x3] =	sbarrier.arrive $0xFFFF;
	s2 =	simm.s32 @!p0 $0x1C01  }
0x95: {  	[timem:s3], [sflag:s2] =	dma.local @!p0 [hbm:s0], s1  }
0x96: {  	s0 =	simm.s32 @!p0 $0x1  }
0x97: {  	_ =	swait.ge @!p0 [sflag:s0], s1  }
0x98: {  	s1 =	ssub.s32 @!p0 $0x0, s1;
	[sflag:s0] =	ssyncset.done @!p0 $0x0  }
0x99: {  	[sflag:s0] =	ssyncadd.s32 @!p0 s1  }
0x9a: {  	[bflag:$0x3] =	sbarrier.arrive $0xFFFF  }
0x9b: {  	_ =	shalt  }

</sc_bundles>
